<compile_context>
chip_gen: v7x
topology: tpu7x:2x2x1
jax: 0.10.2.dev20260603
libtpu: 0.0.44.dev20260713+nightly
codegen_flags: <defaults>
</compile_context>

<pallas_src>
import functools

import jax
import jax.numpy as jnp
from jax import lax
from jax.experimental import pallas as pl
from jax.experimental.pallas import tpu as pltpu
from jax.experimental.pallas import tpu_sc as plsc

VOCAB = 1000000
EMBED_DIM = 64
BATCH = 4096
SEQ = 200

NUM_CORES = 2
NUM_SUBCORES = 16
NW = NUM_CORES * NUM_SUBCORES
HALF = BATCH // 2
ROWS_W = HALF // NW
SLAB = 2
STEPS = ROWS_W // SLAB
PIECES = [(0, 128), (128, 72)]
NBUF = 2

_mesh = plsc.VectorSubcoreMesh(core_axis_name="c", subcore_axis_name="s")


@functools.partial(
    pl.kernel,
    out_type=jax.ShapeDtypeStruct((HALF, SEQ, EMBED_DIM), jnp.float32),
    mesh=_mesh,
    scratch_types=[
        pltpu.VMEM((STEPS, SLAB * SEQ), jnp.int32),
        pltpu.VMEM((NBUF, SLAB, SEQ, EMBED_DIM), jnp.float32),
        pltpu.SemaphoreType.DMA((NBUF,)),
        pltpu.SemaphoreType.DMA((NBUF,)),
    ],
    compiler_params=pltpu.CompilerParams(use_tc_tiling_on_sc=False),
)
def _sc_gather(idx_hbm, table_hbm, out_hbm, idx_v, rows_v, gsem, osem):
    wid = lax.axis_index("s") * NUM_CORES + lax.axis_index("c")
    b0 = wid * ROWS_W
    pltpu.sync_copy(idx_hbm.at[wid], idx_v)

    def fire_gathers(s, buf):
        for r in range(SLAB):
            for off, n in PIECES:
                pltpu.async_copy(
                    table_hbm.at[idx_v.at[s, pl.ds(r * SEQ + off, n)]],
                    rows_v.at[buf, r, pl.ds(off, n)], gsem.at[buf])

    def wait_gathers(buf):
        for r in range(SLAB):
            for off, n in PIECES:
                pltpu.make_async_copy(
                    table_hbm.at[pl.ds(0, n)],
                    rows_v.at[buf, r, pl.ds(off, n)], gsem.at[buf]).wait()

    def wait_store(buf):
        pltpu.make_async_copy(
            rows_v.at[buf], out_hbm.at[pl.ds(0, SLAB)], osem.at[buf]).wait()

    fire_gathers(0, 0)

    def superstep(g, carry):
        for sub in range(NBUF):
            s = g * NBUF + sub
            nb = (sub + 1) % NBUF

            @pl.when(s + 1 < STEPS)
            def _():
                @pl.when(s + 1 >= NBUF)
                def _():
                    wait_store(nb)

                fire_gathers(s + 1, nb)

            @pl.when(s < STEPS)
            def _():
                wait_gathers(sub)
                pltpu.async_copy(
                    rows_v.at[sub],
                    out_hbm.at[pl.ds(b0 + s * SLAB, SLAB)], osem.at[sub])
        return carry

    lax.fori_loop(0, STEPS // NBUF, superstep, 0)
    for b in range(NBUF):
        wait_store(b)


def kernel(x, embedding_table):
    idx = x.astype(jnp.int32)
    o1 = _sc_gather(idx[:HALF].reshape(NW, STEPS, SLAB * SEQ),
                    embedding_table)
    o2 = _sc_gather(idx[HALF:].reshape(NW, STEPS, SLAB * SEQ),
                    embedding_table)
    return jnp.concatenate([o1, o2], axis=0)

# --- scband reference (transcript-rebuilt; emitter-appended) ---
"""Pipeline reference for scband-base-text-generator-90417651516246 (READ-ONLY COPY).

The authoritative reference and input builder live on the scoring server;
editing this copy changes nothing except your own understanding.
"""

import jax, jax.numpy as jnp
import numpy as np

VOCAB = 1000000
EMBED_DIM = 64
BATCH = 4096
SEQ = 200

def setup_inputs(seed: int = 0) -> dict:
    key = jax.random.key(seed)
    k1, k2 = jax.random.split(key)
    x = jax.random.randint(k1, (BATCH, SEQ), 0, VOCAB, dtype=jnp.int64)
    embedding_table = jax.random.normal(k2, (VOCAB, EMBED_DIM), dtype=jnp.float32)
    return {"x": x, "embedding_table": embedding_table}

def reference(x, embedding_table):
    # BaseTextGenerator.forward: embedded = self.embedding(x); embedded = self.dropout(embedded)
    # Dropout is identity in eval mode; hidden passes through as None (omitted).
    embedded = jnp.take(embedding_table, x, axis=0)
    return embedded

if __name__ == "__main__":
    import jax
    _d = setup_inputs()
    print(jax.jit(kernel)(*tuple(_d.values())))

</pallas_src>

<mosaic_0001>
#map = affine_map<(d0, d1) -> (0, 0, 0)>
#map1 = affine_map<(d0, d1) -> (0, 0)>
module attributes {stable_mosaic.version = 14 : i64} {
  func.func @_sc_gather(%arg0: i32, %arg1: i32, %arg2: memref<32x32x400xi32, #tpu.memory_space<hbm>>, %arg3: memref<1000000x64xf32, #tpu.memory_space<hbm>>, %arg4: memref<2048x200x64xf32, #tpu.memory_space<hbm>>, %arg5: memref<32x400xi32, #tpu.memory_space<vmem>>, %arg6: memref<2x2x200x64xf32, #tpu.memory_space<vmem>>, %arg7: memref<2x!tpu.dma_semaphore, #tpu.memory_space<semaphore_mem>>, %arg8: memref<2x!tpu.dma_semaphore, #tpu.memory_space<semaphore_mem>>) attributes {dimension_semantics = [#tpu.dimension_semantics<core_parallel>, #tpu.dimension_semantics<subcore_parallel>], iteration_bounds = array<i64: 2, 16>, scalar_prefetch = 0 : i64, scratch_operands = 4 : i64, tpu.core_type = #tpu.core_type<sc_vector_subcore>, window_params = [{transform_indices = #map}, {transform_indices = #map1}, {transform_indices = #map}]} {
    %mul3A = arith.constant 2 : i32
    %mul3A_0 = arith.muli %arg1, %mul3A : i32
    %add3A = arith.addi %mul3A_0, %arg0 : i32
    %mul3A_1 = arith.constant 64 : i32
    %mul3A_2 = arith.muli %add3A, %mul3A_1 : i32
    "tpu.region"() ({
      %run_scoped3A = tpu.sem_alloc : memref<!tpu.dma_semaphore, #tpu.memory_space<semaphore_mem>>
      %dma_start3A_114 = arith.constant 0 : i32
      %dma_start3A_115 = arith.constant 0 : i32
      %dma_start3A_116 = tpu.memref_slice %arg2[%add3A, %dma_start3A_114, %dma_start3A_115] : memref<32x32x400xi32, #tpu.memory_space<hbm>> -> memref<1x32x400xi32, #tpu.memory_space<hbm>>
      %dma_start3A_117 = tpu.memref_squeeze %dma_start3A_116 : memref<1x32x400xi32, #tpu.memory_space<hbm>> -> memref<32x400xi32, #tpu.memory_space<hbm>>
      %dma_start3A_118 = arith.constant 0 : i32
      %dma_start3A_119 = arith.constant 0 : i32
      %dma_start3A_120 = tpu.memref_slice %arg2[%add3A, %dma_start3A_118, %dma_start3A_119] : memref<32x32x400xi32, #tpu.memory_space<hbm>> -> memref<1x32x400xi32, #tpu.memory_space<hbm>>
      %dma_start3A_121 = tpu.memref_squeeze %dma_start3A_120 : memref<1x32x400xi32, #tpu.memory_space<hbm>> -> memref<32x400xi32, #tpu.memory_space<hbm>>
      tpu.enqueue_dma source(%dma_start3A_121 : memref<32x400xi32, #tpu.memory_space<hbm>>) target(%arg5 : memref<32x400xi32, #tpu.memory_space<vmem>>) target_semaphore(%run_scoped3A : memref<!tpu.dma_semaphore, #tpu.memory_space<semaphore_mem>>)
      %dma_wait3A_122 = arith.constant 0 : i32
      %dma_wait3A_123 = arith.constant 0 : i32
      %dma_wait3A_124 = tpu.memref_slice %arg2[%add3A, %dma_wait3A_122, %dma_wait3A_123] : memref<32x32x400xi32, #tpu.memory_space<hbm>> -> memref<1x32x400xi32, #tpu.memory_space<hbm>>
      %dma_wait3A_125 = tpu.memref_squeeze %dma_wait3A_124 : memref<1x32x400xi32, #tpu.memory_space<hbm>> -> memref<32x400xi32, #tpu.memory_space<hbm>>
      %dma_wait3A_126 = arith.constant 0 : i32
      %dma_wait3A_127 = arith.constant 0 : i32
      %dma_wait3A_128 = tpu.memref_slice %arg2[%add3A, %dma_wait3A_126, %dma_wait3A_127] : memref<32x32x400xi32, #tpu.memory_space<hbm>> -> memref<1x32x400xi32, #tpu.memory_space<hbm>>
      %dma_wait3A_129 = tpu.memref_squeeze %dma_wait3A_128 : memref<1x32x400xi32, #tpu.memory_space<hbm>> -> memref<32x400xi32, #tpu.memory_space<hbm>>
      tpu.wait_dma2 semaphore(%run_scoped3A : memref<!tpu.dma_semaphore, #tpu.memory_space<semaphore_mem>>) src(%dma_wait3A_129 : memref<32x400xi32, #tpu.memory_space<hbm>>) dst(%arg5 : memref<32x400xi32, #tpu.memory_space<vmem>>)
      tpu.yield
    }) : () -> ()
    %dma_start3A = arith.constant 0 : i32
    %dma_start3A_3 = arith.constant 0 : i32
    %dma_start3A_4 = arith.constant 0 : i32
    %dma_start3A_5 = arith.constant 0 : i32
    %dma_start3A_6 = arith.constant 0 : i32
    %dma_start3A_7 = arith.constant 0 : i32
    %dma_start3A_8 = tpu.memref_slice %arg6[%dma_start3A_3, %dma_start3A_4, %dma_start3A_6, %dma_start3A_7] : memref<2x2x200x64xf32, #tpu.memory_space<vmem>> -> memref<1x1x128x64xf32, #tpu.memory_space<vmem>>
    %dma_start3A_9 = tpu.memref_squeeze %dma_start3A_8 : memref<1x1x128x64xf32, #tpu.memory_space<vmem>> -> memref<128x64xf32, #tpu.memory_space<vmem>>
    %dma_start3A_10 = arith.constant 0 : i32
    %dma_start3A_11 = tpu.memref_slice %arg5[%dma_start3A, %dma_start3A_10] : memref<32x400xi32, #tpu.memory_space<vmem>> -> memref<1x128xi32, #tpu.memory_space<vmem>>
    %dma_start3A_12 = tpu.memref_squeeze %dma_start3A_11 : memref<1x128xi32, #tpu.memory_space<vmem>> -> memref<128xi32, #tpu.memory_space<vmem>>
    %dma_start3A_13 = arith.constant 0 : i32
    %dma_start3A_14 = arith.constant 0 : i32
    %dma_start3A_15 = tpu.memref_slice %arg3[%dma_start3A_13, %dma_start3A_14] : memref<1000000x64xf32, #tpu.memory_space<hbm>> -> memref<1000000x64xf32, #tpu.memory_space<hbm>>
    %dma_start3A_16 = tpu.memref_slice %arg7[%dma_start3A_5] : memref<2x!tpu.dma_semaphore, #tpu.memory_space<semaphore_mem>> -> memref<1x!tpu.dma_semaphore, #tpu.memory_space<semaphore_mem>>
    %dma_start3A_17 = tpu.memref_squeeze %dma_start3A_16 : memref<1x!tpu.dma_semaphore, #tpu.memory_space<semaphore_mem>> -> memref<!tpu.dma_semaphore, #tpu.memory_space<semaphore_mem>>
    tpu.enqueue_indirect_dma source(%dma_start3A_15 : memref<1000000x64xf32, #tpu.memory_space<hbm>>) target(%dma_start3A_9 : memref<128x64xf32, #tpu.memory_space<vmem>>) offsets(%dma_start3A_12 : memref<128xi32, #tpu.memory_space<vmem>>) semaphore(%dma_start3A_17 : memref<!tpu.dma_semaphore, #tpu.memory_space<semaphore_mem>>)
    %dma_start3A_18 = arith.constant 0 : i32
    %dma_start3A_19 = arith.constant 0 : i32
    %dma_start3A_20 = arith.constant 0 : i32
    %dma_start3A_21 = arith.constant 0 : i32
    %dma_start3A_22 = arith.constant 128 : i32
    %dma_start3A_23 = arith.constant 0 : i32
    %dma_start3A_24 = tpu.memref_slice %arg6[%dma_start3A_19, %dma_start3A_20, %dma_start3A_22, %dma_start3A_23] : memref<2x2x200x64xf32, #tpu.memory_space<vmem>> -> memref<1x1x72x64xf32, #tpu.memory_space<vmem>>
    %dma_start3A_25 = tpu.memref_squeeze %dma_start3A_24 : memref<1x1x72x64xf32, #tpu.memory_space<vmem>> -> memref<72x64xf32, #tpu.memory_space<vmem>>
    %dma_start3A_26 = arith.constant 128 : i32
    %dma_start3A_27 = tpu.memref_slice %arg5[%dma_start3A_18, %dma_start3A_26] : memref<32x400xi32, #tpu.memory_space<vmem>> -> memref<1x72xi32, #tpu.memory_space<vmem>>
    %dma_start3A_28 = tpu.memref_squeeze %dma_start3A_27 : memref<1x72xi32, #tpu.memory_space<vmem>> -> memref<72xi32, #tpu.memory_space<vmem>>
    %dma_start3A_29 = arith.constant 0 : i32
    %dma_start3A_30 = arith.constant 0 : i32
    %dma_start3A_31 = tpu.memref_slice %arg3[%dma_start3A_29, %dma_start3A_30] : memref<1000000x64xf32, #tpu.memory_space<hbm>> -> memref<1000000x64xf32, #tpu.memory_space<hbm>>
    %dma_start3A_32 = tpu.memref_slice %arg7[%dma_start3A_21] : memref<2x!tpu.dma_semaphore, #tpu.memory_space<semaphore_mem>> -> memref<1x!tpu.dma_semaphore, #tpu.memory_space<semaphore_mem>>
    %dma_start3A_33 = tpu.memref_squeeze %dma_start3A_32 : memref<1x!tpu.dma_semaphore, #tpu.memory_space<semaphore_mem>> -> memref<!tpu.dma_semaphore, #tpu.memory_space<semaphore_mem>>
    tpu.enqueue_indirect_dma source(%dma_start3A_31 : memref<1000000x64xf32, #tpu.memory_space<hbm>>) target(%dma_start3A_25 : memref<72x64xf32, #tpu.memory_space<vmem>>) offsets(%dma_start3A_28 : memref<72xi32, #tpu.memory_space<vmem>>) semaphore(%dma_start3A_33 : memref<!tpu.dma_semaphore, #tpu.memory_space<semaphore_mem>>)
    %dma_start3A_34 = arith.constant 0 : i32
    %dma_start3A_35 = arith.constant 0 : i32
    %dma_start3A_36 = arith.constant 1 : i32
    %dma_start3A_37 = arith.constant 0 : i32
    %dma_start3A_38 = arith.constant 0 : i32
    %dma_start3A_39 = arith.constant 0 : i32
    %dma_start3A_40 = tpu.memref_slice %arg6[%dma_start3A_35, %dma_start3A_36, %dma_start3A_38, %dma_start3A_39] : memref<2x2x200x64xf32, #tpu.memory_space<vmem>> -> memref<1x1x128x64xf32, #tpu.memory_space<vmem>>
    %dma_start3A_41 = tpu.memref_squeeze %dma_start3A_40 : memref<1x1x128x64xf32, #tpu.memory_space<vmem>> -> memref<128x64xf32, #tpu.memory_space<vmem>>
    %dma_start3A_42 = arith.constant 200 : i32
    %dma_start3A_43 = tpu.memref_slice %arg5[%dma_start3A_34, %dma_start3A_42] : memref<32x400xi32, #tpu.memory_space<vmem>> -> memref<1x128xi32, #tpu.memory_space<vmem>>
    %dma_start3A_44 = tpu.memref_squeeze %dma_start3A_43 : memref<1x128xi32, #tpu.memory_space<vmem>> -> memref<128xi32, #tpu.memory_space<vmem>>
    %dma_start3A_45 = arith.constant 0 : i32
    %dma_start3A_46 = arith.constant 0 : i32
    %dma_start3A_47 = tpu.memref_slice %arg3[%dma_start3A_45, %dma_start3A_46] : memref<1000000x64xf32, #tpu.memory_space<hbm>> -> memref<1000000x64xf32, #tpu.memory_space<hbm>>
    %dma_start3A_48 = tpu.memref_slice %arg7[%dma_start3A_37] : memref<2x!tpu.dma_semaphore, #tpu.memory_space<semaphore_mem>> -> memref<1x!tpu.dma_semaphore, #tpu.memory_space<semaphore_mem>>
    %dma_start3A_49 = tpu.memref_squeeze %dma_start3A_48 : memref<1x!tpu.dma_semaphore, #tpu.memory_space<semaphore_mem>> -> memref<!tpu.dma_semaphore, #tpu.memory_space<semaphore_mem>>
    tpu.enqueue_indirect_dma source(%dma_start3A_47 : memref<1000000x64xf32, #tpu.memory_space<hbm>>) target(%dma_start3A_41 : memref<128x64xf32, #tpu.memory_space<vmem>>) offsets(%dma_start3A_44 : memref<128xi32, #tpu.memory_space<vmem>>) semaphore(%dma_start3A_49 : memref<!tpu.dma_semaphore, #tpu.memory_space<semaphore_mem>>)
    %dma_start3A_50 = arith.constant 0 : i32
    %dma_start3A_51 = arith.constant 0 : i32
    %dma_start3A_52 = arith.constant 1 : i32
    %dma_start3A_53 = arith.constant 0 : i32
    %dma_start3A_54 = arith.constant 128 : i32
    %dma_start3A_55 = arith.constant 0 : i32
    %dma_start3A_56 = tpu.memref_slice %arg6[%dma_start3A_51, %dma_start3A_52, %dma_start3A_54, %dma_start3A_55] : memref<2x2x200x64xf32, #tpu.memory_space<vmem>> -> memref<1x1x72x64xf32, #tpu.memory_space<vmem>>
    %dma_start3A_57 = tpu.memref_squeeze %dma_start3A_56 : memref<1x1x72x64xf32, #tpu.memory_space<vmem>> -> memref<72x64xf32, #tpu.memory_space<vmem>>
    %dma_start3A_58 = arith.constant 328 : i32
    %dma_start3A_59 = tpu.memref_slice %arg5[%dma_start3A_50, %dma_start3A_58] : memref<32x400xi32, #tpu.memory_space<vmem>> -> memref<1x72xi32, #tpu.memory_space<vmem>>
    %dma_start3A_60 = tpu.memref_squeeze %dma_start3A_59 : memref<1x72xi32, #tpu.memory_space<vmem>> -> memref<72xi32, #tpu.memory_space<vmem>>
    %dma_start3A_61 = arith.constant 0 : i32
    %dma_start3A_62 = arith.constant 0 : i32
    %dma_start3A_63 = tpu.memref_slice %arg3[%dma_start3A_61, %dma_start3A_62] : memref<1000000x64xf32, #tpu.memory_space<hbm>> -> memref<1000000x64xf32, #tpu.memory_space<hbm>>
    %dma_start3A_64 = tpu.memref_slice %arg7[%dma_start3A_53] : memref<2x!tpu.dma_semaphore, #tpu.memory_space<semaphore_mem>> -> memref<1x!tpu.dma_semaphore, #tpu.memory_space<semaphore_mem>>
    %dma_start3A_65 = tpu.memref_squeeze %dma_start3A_64 : memref<1x!tpu.dma_semaphore, #tpu.memory_space<semaphore_mem>> -> memref<!tpu.dma_semaphore, #tpu.memory_space<semaphore_mem>>
    tpu.enqueue_indirect_dma source(%dma_start3A_63 : memref<1000000x64xf32, #tpu.memory_space<hbm>>) target(%dma_start3A_57 : memref<72x64xf32, #tpu.memory_space<vmem>>) offsets(%dma_start3A_60 : memref<72xi32, #tpu.memory_space<vmem>>) semaphore(%dma_start3A_65 : memref<!tpu.dma_semaphore, #tpu.memory_space<semaphore_mem>>)
    %scan3A = arith.constant 0 : i32
    %scan3A_66 = arith.constant 0 : i32
    %scan3A_67 = arith.constant 16 : i32
    %scan3A_68 = arith.addi %scan3A_66, %scan3A_67 : i32
    %scan3A_69 = arith.constant 1 : i32
    scf.for %scan3A_114 = %scan3A_66 to %scan3A_68 step %scan3A_69  : i32 {
      %mul3A_115 = arith.constant 2 : i32
      %mul3A_116 = arith.muli %scan3A_114, %mul3A_115 : i32
      %add3A_117 = arith.constant 0 : i32
      %add3A_118 = arith.addi %mul3A_116, %add3A_117 : i32
      %add3A_119 = arith.constant 1 : i32
      %add3A_120 = arith.addi %add3A_118, %add3A_119 : i32
      %lt3A = arith.constant 32 : i32
      %lt3A_121 = arith.cmpi slt, %add3A_120, %lt3A : i32
      %convert_element_type3A = arith.extui %lt3A_121 : i1 to i32
      %cond3A = arith.constant 0 : i32
      %cond3A_122 = arith.cmpi ne, %convert_element_type3A, %cond3A : i32
      scf.if %cond3A_122 {
        %add3A_144 = arith.constant 1 : i32
        %add3A_145 = arith.addi %add3A_118, %add3A_144 : i32
        %ge3A = arith.constant 2 : i32
        %ge3A_146 = arith.cmpi sge, %add3A_145, %ge3A : i32
        %convert_element_type3A_147 = arith.extui %ge3A_146 : i1 to i32
        %cond3A_148 = arith.constant 0 : i32
        %cond3A_149 = arith.cmpi ne, %convert_element_type3A_147, %cond3A_148 : i32
        scf.if %cond3A_149 {
          %dma_wait3A_212 = arith.constant 1 : i32
          %dma_wait3A_213 = arith.constant 1 : i32
          %dma_wait3A_214 = arith.constant 0 : i32
          %dma_wait3A_215 = arith.constant 0 : i32
          %dma_wait3A_216 = arith.constant 0 : i32
          %dma_wait3A_217 = tpu.memref_slice %arg6[%dma_wait3A_212, %dma_wait3A_214, %dma_wait3A_215, %dma_wait3A_216] : memref<2x2x200x64xf32, #tpu.memory_space<vmem>> -> memref<1x2x200x64xf32, #tpu.memory_space<vmem>>
          %dma_wait3A_218 = tpu.memref_squeeze %dma_wait3A_217 : memref<1x2x200x64xf32, #tpu.memory_space<vmem>> -> memref<2x200x64xf32, #tpu.memory_space<vmem>>
          %dma_wait3A_219 = arith.constant 0 : i32
          %dma_wait3A_220 = arith.constant 0 : i32
          %dma_wait3A_221 = arith.constant 0 : i32
          %dma_wait3A_222 = tpu.memref_slice %arg4[%dma_wait3A_219, %dma_wait3A_220, %dma_wait3A_221] : memref<2048x200x64xf32, #tpu.memory_space<hbm>> -> memref<2x200x64xf32, #tpu.memory_space<hbm>>
          %dma_wait3A_223 = tpu.memref_slice %arg8[%dma_wait3A_213] : memref<2x!tpu.dma_semaphore, #tpu.memory_space<semaphore_mem>> -> memref<1x!tpu.dma_semaphore, #tpu.memory_space<semaphore_mem>>
          %dma_wait3A_224 = tpu.memref_squeeze %dma_wait3A_223 : memref<1x!tpu.dma_semaphore, #tpu.memory_space<semaphore_mem>> -> memref<!tpu.dma_semaphore, #tpu.memory_space<semaphore_mem>>
          %dma_wait3A_225 = arith.constant 0 : i32
          %dma_wait3A_226 = arith.constant 0 : i32
          %dma_wait3A_227 = arith.constant 0 : i32
          %dma_wait3A_228 = tpu.memref_slice %arg4[%dma_wait3A_225, %dma_wait3A_226, %dma_wait3A_227] : memref<2048x200x64xf32, #tpu.memory_space<hbm>> -> memref<2x200x64xf32, #tpu.memory_space<hbm>>
          %dma_wait3A_229 = arith.constant 0 : i32
          %dma_wait3A_230 = arith.constant 0 : i32
          %dma_wait3A_231 = arith.constant 0 : i32
          %dma_wait3A_232 = tpu.memref_slice %arg6[%dma_wait3A_212, %dma_wait3A_229, %dma_wait3A_230, %dma_wait3A_231] : memref<2x2x200x64xf32, #tpu.memory_space<vmem>> -> memref<1x2x200x64xf32, #tpu.memory_space<vmem>>
          %dma_wait3A_233 = tpu.memref_squeeze %dma_wait3A_232 : memref<1x2x200x64xf32, #tpu.memory_space<vmem>> -> memref<2x200x64xf32, #tpu.memory_space<vmem>>
          tpu.wait_dma2 semaphore(%dma_wait3A_224 : memref<!tpu.dma_semaphore, #tpu.memory_space<semaphore_mem>>) src(%dma_wait3A_233 : memref<2x200x64xf32, #tpu.memory_space<vmem>>) dst(%dma_wait3A_228 : memref<2x200x64xf32, #tpu.memory_space<hbm>>)
        } else {
        }
        %add3A_150 = arith.constant 1 : i32
        %add3A_151 = arith.addi %add3A_118, %add3A_150 : i32
        %dma_start3A_152 = arith.constant 1 : i32
        %dma_start3A_153 = arith.constant 0 : i32
        %dma_start3A_154 = arith.constant 1 : i32
        %dma_start3A_155 = arith.constant 0 : i32
        %dma_start3A_156 = arith.constant 0 : i32
        %dma_start3A_157 = tpu.memref_slice %arg6[%dma_start3A_152, %dma_start3A_153, %dma_start3A_155, %dma_start3A_156] : memref<2x2x200x64xf32, #tpu.memory_space<vmem>> -> memref<1x1x128x64xf32, #tpu.memory_space<vmem>>
        %dma_start3A_158 = tpu.memref_squeeze %dma_start3A_157 : memref<1x1x128x64xf32, #tpu.memory_space<vmem>> -> memref<128x64xf32, #tpu.memory_space<vmem>>
        %dma_start3A_159 = arith.constant 0 : i32
        %dma_start3A_160 = tpu.memref_slice %arg5[%add3A_151, %dma_start3A_159] : memref<32x400xi32, #tpu.memory_space<vmem>> -> memref<1x128xi32, #tpu.memory_space<vmem>>
        %dma_start3A_161 = tpu.memref_squeeze %dma_start3A_160 : memref<1x128xi32, #tpu.memory_space<vmem>> -> memref<128xi32, #tpu.memory_space<vmem>>
        %dma_start3A_162 = arith.constant 0 : i32
        %dma_start3A_163 = arith.constant 0 : i32
        %dma_start3A_164 = tpu.memref_slice %arg3[%dma_start3A_162, %dma_start3A_163] : memref<1000000x64xf32, #tpu.memory_space<hbm>> -> memref<1000000x64xf32, #tpu.memory_space<hbm>>
        %dma_start3A_165 = tpu.memref_slice %arg7[%dma_start3A_154] : memref<2x!tpu.dma_semaphore, #tpu.memory_space<semaphore_mem>> -> memref<1x!tpu.dma_semaphore, #tpu.memory_space<semaphore_mem>>
        %dma_start3A_166 = tpu.memref_squeeze %dma_start3A_165 : memref<1x!tpu.dma_semaphore, #tpu.memory_space<semaphore_mem>> -> memref<!tpu.dma_semaphore, #tpu.memory_space<semaphore_mem>>
        tpu.enqueue_indirect_dma source(%dma_start3A_164 : memref<1000000x64xf32, #tpu.memory_space<hbm>>) target(%dma_start3A_158 : memref<128x64xf32, #tpu.memory_space<vmem>>) offsets(%dma_start3A_161 : memref<128xi32, #tpu.memory_space<vmem>>) semaphore(%dma_start3A_166 : memref<!tpu.dma_semaphore, #tpu.memory_space<semaphore_mem>>)
        %dma_start3A_167 = arith.constant 1 : i32
        %dma_start3A_168 = arith.constant 0 : i32
        %dma_start3A_169 = arith.constant 1 : i32
        %dma_start3A_170 = arith.constant 128 : i32
        %dma_start3A_171 = arith.constant 0 : i32
        %dma_start3A_172 = tpu.memref_slice %arg6[%dma_start3A_167, %dma_start3A_168, %dma_start3A_170, %dma_start3A_171] : memref<2x2x200x64xf32, #tpu.memory_space<vmem>> -> memref<1x1x72x64xf32, #tpu.memory_space<vmem>>
        %dma_start3A_173 = tpu.memref_squeeze %dma_start3A_172 : memref<1x1x72x64xf32, #tpu.memory_space<vmem>> -> memref<72x64xf32, #tpu.memory_space<vmem>>
        %dma_start3A_174 = arith.constant 128 : i32
        %dma_start3A_175 = tpu.memref_slice %arg5[%add3A_151, %dma_start3A_174] : memref<32x400xi32, #tpu.memory_space<vmem>> -> memref<1x72xi32, #tpu.memory_space<vmem>>
        %dma_start3A_176 = tpu.memref_squeeze %dma_start3A_175 : memref<1x72xi32, #tpu.memory_space<vmem>> -> memref<72xi32, #tpu.memory_space<vmem>>
        %dma_start3A_177 = arith.constant 0 : i32
        %dma_start3A_178 = arith.constant 0 : i32
        %dma_start3A_179 = tpu.memref_slice %arg3[%dma_start3A_177, %dma_start3A_178] : memref<1000000x64xf32, #tpu.memory_space<hbm>> -> memref<1000000x64xf32, #tpu.memory_space<hbm>>
        %dma_start3A_180 = tpu.memref_slice %arg7[%dma_start3A_169] : memref<2x!tpu.dma_semaphore, #tpu.memory_space<semaphore_mem>> -> memref<1x!tpu.dma_semaphore, #tpu.memory_space<semaphore_mem>>
        %dma_start3A_181 = tpu.memref_squeeze %dma_start3A_180 : memref<1x!tpu.dma_semaphore, #tpu.memory_space<semaphore_mem>> -> memref<!tpu.dma_semaphore, #tpu.memory_space<semaphore_mem>>
        tpu.enqueue_indirect_dma source(%dma_start3A_179 : memref<1000000x64xf32, #tpu.memory_space<hbm>>) target(%dma_start3A_173 : memref<72x64xf32, #tpu.memory_space<vmem>>) offsets(%dma_start3A_176 : memref<72xi32, #tpu.memory_space<vmem>>) semaphore(%dma_start3A_181 : memref<!tpu.dma_semaphore, #tpu.memory_space<semaphore_mem>>)
        %dma_start3A_182 = arith.constant 1 : i32
        %dma_start3A_183 = arith.constant 1 : i32
        %dma_start3A_184 = arith.constant 1 : i32
        %dma_start3A_185 = arith.constant 0 : i32
        %dma_start3A_186 = arith.constant 0 : i32
        %dma_start3A_187 = tpu.memref_slice %arg6[%dma_start3A_182, %dma_start3A_183, %dma_start3A_185, %dma_start3A_186] : memref<2x2x200x64xf32, #tpu.memory_space<vmem>> -> memref<1x1x128x64xf32, #tpu.memory_space<vmem>>
        %dma_start3A_188 = tpu.memref_squeeze %dma_start3A_187 : memref<1x1x128x64xf32, #tpu.memory_space<vmem>> -> memref<128x64xf32, #tpu.memory_space<vmem>>
        %dma_start3A_189 = arith.constant 200 : i32
        %dma_start3A_190 = tpu.memref_slice %arg5[%add3A_151, %dma_start3A_189] : memref<32x400xi32, #tpu.memory_space<vmem>> -> memref<1x128xi32, #tpu.memory_space<vmem>>
        %dma_start3A_191 = tpu.memref_squeeze %dma_start3A_190 : memref<1x128xi32, #tpu.memory_space<vmem>> -> memref<128xi32, #tpu.memory_space<vmem>>
        %dma_start3A_192 = arith.constant 0 : i32
        %dma_start3A_193 = arith.constant 0 : i32
        %dma_start3A_194 = tpu.memref_slice %arg3[%dma_start3A_192, %dma_start3A_193] : memref<1000000x64xf32, #tpu.memory_space<hbm>> -> memref<1000000x64xf32, #tpu.memory_space<hbm>>
        %dma_start3A_195 = tpu.memref_slice %arg7[%dma_start3A_184] : memref<2x!tpu.dma_semaphore, #tpu.memory_space<semaphore_mem>> -> memref<1x!tpu.dma_semaphore, #tpu.memory_space<semaphore_mem>>
        %dma_start3A_196 = tpu.memref_squeeze %dma_start3A_195 : memref<1x!tpu.dma_semaphore, #tpu.memory_space<semaphore_mem>> -> memref<!tpu.dma_semaphore, #tpu.memory_space<semaphore_mem>>
        tpu.enqueue_indirect_dma source(%dma_start3A_194 : memref<1000000x64xf32, #tpu.memory_space<hbm>>) target(%dma_start3A_188 : memref<128x64xf32, #tpu.memory_space<vmem>>) offsets(%dma_start3A_191 : memref<128xi32, #tpu.memory_space<vmem>>) semaphore(%dma_start3A_196 : memref<!tpu.dma_semaphore, #tpu.memory_space<semaphore_mem>>)
        %dma_start3A_197 = arith.constant 1 : i32
        %dma_start3A_198 = arith.constant 1 : i32
        %dma_start3A_199 = arith.constant 1 : i32
        %dma_start3A_200 = arith.constant 128 : i32
        %dma_start3A_201 = arith.constant 0 : i32
        %dma_start3A_202 = tpu.memref_slice %arg6[%dma_start3A_197, %dma_start3A_198, %dma_start3A_200, %dma_start3A_201] : memref<2x2x200x64xf32, #tpu.memory_space<vmem>> -> memref<1x1x72x64xf32, #tpu.memory_space<vmem>>
        %dma_start3A_203 = tpu.memref_squeeze %dma_start3A_202 : memref<1x1x72x64xf32, #tpu.memory_space<vmem>> -> memref<72x64xf32, #tpu.memory_space<vmem>>
        %dma_start3A_204 = arith.constant 328 : i32
        %dma_start3A_205 = tpu.memref_slice %arg5[%add3A_151, %dma_start3A_204] : memref<32x400xi32, #tpu.memory_space<vmem>> -> memref<1x72xi32, #tpu.memory_space<vmem>>
        %dma_start3A_206 = tpu.memref_squeeze %dma_start3A_205 : memref<1x72xi32, #tpu.memory_space<vmem>> -> memref<72xi32, #tpu.memory_space<vmem>>
        %dma_start3A_207 = arith.constant 0 : i32
        %dma_start3A_208 = arith.constant 0 : i32
        %dma_start3A_209 = tpu.memref_slice %arg3[%dma_start3A_207, %dma_start3A_208] : memref<1000000x64xf32, #tpu.memory_space<hbm>> -> memref<1000000x64xf32, #tpu.memory_space<hbm>>
        %dma_start3A_210 = tpu.memref_slice %arg7[%dma_start3A_199] : memref<2x!tpu.dma_semaphore, #tpu.memory_space<semaphore_mem>> -> memref<1x!tpu.dma_semaphore, #tpu.memory_space<semaphore_mem>>
        %dma_start3A_211 = tpu.memref_squeeze %dma_start3A_210 : memref<1x!tpu.dma_semaphore, #tpu.memory_space<semaphore_mem>> -> memref<!tpu.dma_semaphore, #tpu.memory_space<semaphore_mem>>
        tpu.enqueue_indirect_dma source(%dma_start3A_209 : memref<1000000x64xf32, #tpu.memory_space<hbm>>) target(%dma_start3A_203 : memref<72x64xf32, #tpu.memory_space<vmem>>) offsets(%dma_start3A_206 : memref<72xi32, #tpu.memory_space<vmem>>) semaphore(%dma_start3A_211 : memref<!tpu.dma_semaphore, #tpu.memory_space<semaphore_mem>>)
      } else {
      }
      %lt3A_123 = arith.constant 32 : i32
      %lt3A_124 = arith.cmpi slt, %add3A_118, %lt3A_123 : i32
      %convert_element_type3A_125 = arith.extui %lt3A_124 : i1 to i32
      %cond3A_126 = arith.constant 0 : i32
      %cond3A_127 = arith.cmpi ne, %convert_element_type3A_125, %cond3A_126 : i32
      scf.if %cond3A_127 {
        %dma_wait3A_144 = arith.constant 0 : i32
        %dma_wait3A_145 = arith.constant 0 : i32
        %dma_wait3A_146 = arith.constant 0 : i32
        %dma_wait3A_147 = arith.constant 0 : i32
        %dma_wait3A_148 = arith.constant 0 : i32
        %dma_wait3A_149 = tpu.memref_slice %arg6[%dma_wait3A_144, %dma_wait3A_145, %dma_wait3A_147, %dma_wait3A_148] : memref<2x2x200x64xf32, #tpu.memory_space<vmem>> -> memref<1x1x128x64xf32, #tpu.memory_space<vmem>>
        %dma_wait3A_150 = tpu.memref_squeeze %dma_wait3A_149 : memref<1x1x128x64xf32, #tpu.memory_space<vmem>> -> memref<128x64xf32, #tpu.memory_space<vmem>>
        %dma_wait3A_151 = arith.constant 0 : i32
        %dma_wait3A_152 = arith.constant 0 : i32
        %dma_wait3A_153 = tpu.memref_slice %arg3[%dma_wait3A_151, %dma_wait3A_152] : memref<1000000x64xf32, #tpu.memory_space<hbm>> -> memref<128x64xf32, #tpu.memory_space<hbm>>
        %dma_wait3A_154 = tpu.memref_slice %arg7[%dma_wait3A_146] : memref<2x!tpu.dma_semaphore, #tpu.memory_space<semaphore_mem>> -> memref<1x!tpu.dma_semaphore, #tpu.memory_space<semaphore_mem>>
        %dma_wait3A_155 = tpu.memref_squeeze %dma_wait3A_154 : memref<1x!tpu.dma_semaphore, #tpu.memory_space<semaphore_mem>> -> memref<!tpu.dma_semaphore, #tpu.memory_space<semaphore_mem>>
        %dma_wait3A_156 = arith.constant 0 : i32
        %dma_wait3A_157 = arith.constant 0 : i32
        %dma_wait3A_158 = tpu.memref_slice %arg6[%dma_wait3A_144, %dma_wait3A_145, %dma_wait3A_156, %dma_wait3A_157] : memref<2x2x200x64xf32, #tpu.memory_space<vmem>> -> memref<1x1x128x64xf32, #tpu.memory_space<vmem>>
        %dma_wait3A_159 = tpu.memref_squeeze %dma_wait3A_158 : memref<1x1x128x64xf32, #tpu.memory_space<vmem>> -> memref<128x64xf32, #tpu.memory_space<vmem>>
        %dma_wait3A_160 = arith.constant 0 : i32
        %dma_wait3A_161 = arith.constant 0 : i32
        %dma_wait3A_162 = tpu.memref_slice %arg3[%dma_wait3A_160, %dma_wait3A_161] : memref<1000000x64xf32, #tpu.memory_space<hbm>> -> memref<128x64xf32, #tpu.memory_space<hbm>>
        tpu.wait_dma2 semaphore(%dma_wait3A_155 : memref<!tpu.dma_semaphore, #tpu.memory_space<semaphore_mem>>) src(%dma_wait3A_162 : memref<128x64xf32, #tpu.memory_space<hbm>>) dst(%dma_wait3A_159 : memref<128x64xf32, #tpu.memory_space<vmem>>)
        %dma_wait3A_163 = arith.constant 0 : i32
        %dma_wait3A_164 = arith.constant 0 : i32
        %dma_wait3A_165 = arith.constant 0 : i32
        %dma_wait3A_166 = arith.constant 128 : i32
        %dma_wait3A_167 = arith.constant 0 : i32
        %dma_wait3A_168 = tpu.memref_slice %arg6[%dma_wait3A_163, %dma_wait3A_164, %dma_wait3A_166, %dma_wait3A_167] : memref<2x2x200x64xf32, #tpu.memory_space<vmem>> -> memref<1x1x72x64xf32, #tpu.memory_space<vmem>>
        %dma_wait3A_169 = tpu.memref_squeeze %dma_wait3A_168 : memref<1x1x72x64xf32, #tpu.memory_space<vmem>> -> memref<72x64xf32, #tpu.memory_space<vmem>>
        %dma_wait3A_170 = arith.constant 0 : i32
        %dma_wait3A_171 = arith.constant 0 : i32
        %dma_wait3A_172 = tpu.memref_slice %arg3[%dma_wait3A_170, %dma_wait3A_171] : memref<1000000x64xf32, #tpu.memory_space<hbm>> -> memref<72x64xf32, #tpu.memory_space<hbm>>
        %dma_wait3A_173 = tpu.memref_slice %arg7[%dma_wait3A_165] : memref<2x!tpu.dma_semaphore, #tpu.memory_space<semaphore_mem>> -> memref<1x!tpu.dma_semaphore, #tpu.memory_space<semaphore_mem>>
        %dma_wait3A_174 = tpu.memref_squeeze %dma_wait3A_173 : memref<1x!tpu.dma_semaphore, #tpu.memory_space<semaphore_mem>> -> memref<!tpu.dma_semaphore, #tpu.memory_space<semaphore_mem>>
        %dma_wait3A_175 = arith.constant 128 : i32
        %dma_wait3A_176 = arith.constant 0 : i32
        %dma_wait3A_177 = tpu.memref_slice %arg6[%dma_wait3A_163, %dma_wait3A_164, %dma_wait3A_175, %dma_wait3A_176] : memref<2x2x200x64xf32, #tpu.memory_space<vmem>> -> memref<1x1x72x64xf32, #tpu.memory_space<vmem>>
        %dma_wait3A_178 = tpu.memref_squeeze %dma_wait3A_177 : memref<1x1x72x64xf32, #tpu.memory_space<vmem>> -> memref<72x64xf32, #tpu.memory_space<vmem>>
        %dma_wait3A_179 = arith.constant 0 : i32
        %dma_wait3A_180 = arith.constant 0 : i32
        %dma_wait3A_181 = tpu.memref_slice %arg3[%dma_wait3A_179, %dma_wait3A_180] : memref<1000000x64xf32, #tpu.memory_space<hbm>> -> memref<72x64xf32, #tpu.memory_space<hbm>>
        tpu.wait_dma2 semaphore(%dma_wait3A_174 : memref<!tpu.dma_semaphore, #tpu.memory_space<semaphore_mem>>) src(%dma_wait3A_181 : memref<72x64xf32, #tpu.memory_space<hbm>>) dst(%dma_wait3A_178 : memref<72x64xf32, #tpu.memory_space<vmem>>)
        %dma_wait3A_182 = arith.constant 0 : i32
        %dma_wait3A_183 = arith.constant 1 : i32
        %dma_wait3A_184 = arith.constant 0 : i32
        %dma_wait3A_185 = arith.constant 0 : i32
        %dma_wait3A_186 = arith.constant 0 : i32
        %dma_wait3A_187 = tpu.memref_slice %arg6[%dma_wait3A_182, %dma_wait3A_183, %dma_wait3A_185, %dma_wait3A_186] : memref<2x2x200x64xf32, #tpu.memory_space<vmem>> -> memref<1x1x128x64xf32, #tpu.memory_space<vmem>>
        %dma_wait3A_188 = tpu.memref_squeeze %dma_wait3A_187 : memref<1x1x128x64xf32, #tpu.memory_space<vmem>> -> memref<128x64xf32, #tpu.memory_space<vmem>>
        %dma_wait3A_189 = arith.constant 0 : i32
        %dma_wait3A_190 = arith.constant 0 : i32
        %dma_wait3A_191 = tpu.memref_slice %arg3[%dma_wait3A_189, %dma_wait3A_190] : memref<1000000x64xf32, #tpu.memory_space<hbm>> -> memref<128x64xf32, #tpu.memory_space<hbm>>
        %dma_wait3A_192 = tpu.memref_slice %arg7[%dma_wait3A_184] : memref<2x!tpu.dma_semaphore, #tpu.memory_space<semaphore_mem>> -> memref<1x!tpu.dma_semaphore, #tpu.memory_space<semaphore_mem>>
        %dma_wait3A_193 = tpu.memref_squeeze %dma_wait3A_192 : memref<1x!tpu.dma_semaphore, #tpu.memory_space<semaphore_mem>> -> memref<!tpu.dma_semaphore, #tpu.memory_space<semaphore_mem>>
        %dma_wait3A_194 = arith.constant 0 : i32
        %dma_wait3A_195 = arith.constant 0 : i32
        %dma_wait3A_196 = tpu.memref_slice %arg6[%dma_wait3A_182, %dma_wait3A_183, %dma_wait3A_194, %dma_wait3A_195] : memref<2x2x200x64xf32, #tpu.memory_space<vmem>> -> memref<1x1x128x64xf32, #tpu.memory_space<vmem>>
        %dma_wait3A_197 = tpu.memref_squeeze %dma_wait3A_196 : memref<1x1x128x64xf32, #tpu.memory_space<vmem>> -> memref<128x64xf32, #tpu.memory_space<vmem>>
        %dma_wait3A_198 = arith.constant 0 : i32
        %dma_wait3A_199 = arith.constant 0 : i32
        %dma_wait3A_200 = tpu.memref_slice %arg3[%dma_wait3A_198, %dma_wait3A_199] : memref<1000000x64xf32, #tpu.memory_space<hbm>> -> memref<128x64xf32, #tpu.memory_space<hbm>>
        tpu.wait_dma2 semaphore(%dma_wait3A_193 : memref<!tpu.dma_semaphore, #tpu.memory_space<semaphore_mem>>) src(%dma_wait3A_200 : memref<128x64xf32, #tpu.memory_space<hbm>>) dst(%dma_wait3A_197 : memref<128x64xf32, #tpu.memory_space<vmem>>)
        %dma_wait3A_201 = arith.constant 0 : i32
        %dma_wait3A_202 = arith.constant 1 : i32
        %dma_wait3A_203 = arith.constant 0 : i32
        %dma_wait3A_204 = arith.constant 128 : i32
        %dma_wait3A_205 = arith.constant 0 : i32
        %dma_wait3A_206 = tpu.memref_slice %arg6[%dma_wait3A_201, %dma_wait3A_202, %dma_wait3A_204, %dma_wait3A_205] : memref<2x2x200x64xf32, #tpu.memory_space<vmem>> -> memref<1x1x72x64xf32, #tpu.memory_space<vmem>>
        %dma_wait3A_207 = tpu.memref_squeeze %dma_wait3A_206 : memref<1x1x72x64xf32, #tpu.memory_space<vmem>> -> memref<72x64xf32, #tpu.memory_space<vmem>>
        %dma_wait3A_208 = arith.constant 0 : i32
        %dma_wait3A_209 = arith.constant 0 : i32
        %dma_wait3A_210 = tpu.memref_slice %arg3[%dma_wait3A_208, %dma_wait3A_209] : memref<1000000x64xf32, #tpu.memory_space<hbm>> -> memref<72x64xf32, #tpu.memory_space<hbm>>
        %dma_wait3A_211 = tpu.memref_slice %arg7[%dma_wait3A_203] : memref<2x!tpu.dma_semaphore, #tpu.memory_space<semaphore_mem>> -> memref<1x!tpu.dma_semaphore, #tpu.memory_space<semaphore_mem>>
        %dma_wait3A_212 = tpu.memref_squeeze %dma_wait3A_211 : memref<1x!tpu.dma_semaphore, #tpu.memory_space<semaphore_mem>> -> memref<!tpu.dma_semaphore, #tpu.memory_space<semaphore_mem>>
        %dma_wait3A_213 = arith.constant 128 : i32
        %dma_wait3A_214 = arith.constant 0 : i32
        %dma_wait3A_215 = tpu.memref_slice %arg6[%dma_wait3A_201, %dma_wait3A_202, %dma_wait3A_213, %dma_wait3A_214] : memref<2x2x200x64xf32, #tpu.memory_space<vmem>> -> memref<1x1x72x64xf32, #tpu.memory_space<vmem>>
        %dma_wait3A_216 = tpu.memref_squeeze %dma_wait3A_215 : memref<1x1x72x64xf32, #tpu.memory_space<vmem>> -> memref<72x64xf32, #tpu.memory_space<vmem>>
        %dma_wait3A_217 = arith.constant 0 : i32
        %dma_wait3A_218 = arith.constant 0 : i32
        %dma_wait3A_219 = tpu.memref_slice %arg3[%dma_wait3A_217, %dma_wait3A_218] : memref<1000000x64xf32, #tpu.memory_space<hbm>> -> memref<72x64xf32, #tpu.memory_space<hbm>>
        tpu.wait_dma2 semaphore(%dma_wait3A_212 : memref<!tpu.dma_semaphore, #tpu.memory_space<semaphore_mem>>) src(%dma_wait3A_219 : memref<72x64xf32, #tpu.memory_space<hbm>>) dst(%dma_wait3A_216 : memref<72x64xf32, #tpu.memory_space<vmem>>)
        %mul3A_220 = arith.constant 2 : i32
        %mul3A_221 = arith.muli %add3A_118, %mul3A_220 : i32
        %add3A_222 = arith.addi %mul3A_2, %mul3A_221 : i32
        %dma_start3A_223 = arith.constant 0 : i32
        %dma_start3A_224 = arith.constant 0 : i32
        %dma_start3A_225 = arith.constant 0 : i32
        %dma_start3A_226 = arith.constant 0 : i32
        %dma_start3A_227 = arith.constant 0 : i32
        %dma_start3A_228 = tpu.memref_slice %arg6[%dma_start3A_223, %dma_start3A_225, %dma_start3A_226, %dma_start3A_227] : memref<2x2x200x64xf32, #tpu.memory_space<vmem>> -> memref<1x2x200x64xf32, #tpu.memory_space<vmem>>
        %dma_start3A_229 = tpu.memref_squeeze %dma_start3A_228 : memref<1x2x200x64xf32, #tpu.memory_space<vmem>> -> memref<2x200x64xf32, #tpu.memory_space<vmem>>
        %dma_start3A_230 = arith.constant 0 : i32
        %dma_start3A_231 = arith.constant 0 : i32
        %dma_start3A_232 = tpu.memref_slice %arg4[%add3A_222, %dma_start3A_230, %dma_start3A_231] : memref<2048x200x64xf32, #tpu.memory_space<hbm>> -> memref<2x200x64xf32, #tpu.memory_space<hbm>>
        %dma_start3A_233 = tpu.memref_slice %arg8[%dma_start3A_224] : memref<2x!tpu.dma_semaphore, #tpu.memory_space<semaphore_mem>> -> memref<1x!tpu.dma_semaphore, #tpu.memory_space<semaphore_mem>>
        %dma_start3A_234 = tpu.memref_squeeze %dma_start3A_233 : memref<1x!tpu.dma_semaphore, #tpu.memory_space<semaphore_mem>> -> memref<!tpu.dma_semaphore, #tpu.memory_space<semaphore_mem>>
        %dma_start3A_235 = arith.constant 0 : i32
        %dma_start3A_236 = arith.constant 0 : i32
        %dma_start3A_237 = tpu.memref_slice %arg4[%add3A_222, %dma_start3A_235, %dma_start3A_236] : memref<2048x200x64xf32, #tpu.memory_space<hbm>> -> memref<2x200x64xf32, #tpu.memory_space<hbm>>
        %dma_start3A_238 = arith.constant 0 : i32
        %dma_start3A_239 = arith.constant 0 : i32
        %dma_start3A_240 = arith.constant 0 : i32
        %dma_start3A_241 = tpu.memref_slice %arg6[%dma_start3A_223, %dma_start3A_238, %dma_start3A_239, %dma_start3A_240] : memref<2x2x200x64xf32, #tpu.memory_space<vmem>> -> memref<1x2x200x64xf32, #tpu.memory_space<vmem>>
        %dma_start3A_242 = tpu.memref_squeeze %dma_start3A_241 : memref<1x2x200x64xf32, #tpu.memory_space<vmem>> -> memref<2x200x64xf32, #tpu.memory_space<vmem>>
        tpu.enqueue_dma source(%dma_start3A_242 : memref<2x200x64xf32, #tpu.memory_space<vmem>>) target(%dma_start3A_237 : memref<2x200x64xf32, #tpu.memory_space<hbm>>) target_semaphore(%dma_start3A_234 : memref<!tpu.dma_semaphore, #tpu.memory_space<semaphore_mem>>)
      } else {
      }
      %mul3A_128 = arith.constant 2 : i32
      %mul3A_129 = arith.muli %scan3A_114, %mul3A_128 : i32
      %add3A_130 = arith.constant 1 : i32
      %add3A_131 = arith.addi %mul3A_129, %add3A_130 : i32
      %add3A_132 = arith.constant 1 : i32
      %add3A_133 = arith.addi %add3A_131, %add3A_132 : i32
      %lt3A_134 = arith.constant 32 : i32
      %lt3A_135 = arith.cmpi slt, %add3A_133, %lt3A_134 : i32
      %convert_element_type3A_136 = arith.extui %lt3A_135 : i1 to i32
      %cond3A_137 = arith.constant 0 : i32
      %cond3A_138 = arith.cmpi ne, %convert_element_type3A_136, %cond3A_137 : i32
      scf.if %cond3A_138 {
        %add3A_144 = arith.constant 1 : i32
        %add3A_145 = arith.addi %add3A_131, %add3A_144 : i32
        %ge3A = arith.constant 2 : i32
        %ge3A_146 = arith.cmpi sge, %add3A_145, %ge3A : i32
        %convert_element_type3A_147 = arith.extui %ge3A_146 : i1 to i32
        %cond3A_148 = arith.constant 0 : i32
        %cond3A_149 = arith.cmpi ne, %convert_element_type3A_147, %cond3A_148 : i32
        scf.if %cond3A_149 {
          %dma_wait3A_212 = arith.constant 0 : i32
          %dma_wait3A_213 = arith.constant 0 : i32
          %dma_wait3A_214 = arith.constant 0 : i32
          %dma_wait3A_215 = arith.constant 0 : i32
          %dma_wait3A_216 = arith.constant 0 : i32
          %dma_wait3A_217 = tpu.memref_slice %arg6[%dma_wait3A_212, %dma_wait3A_214, %dma_wait3A_215, %dma_wait3A_216] : memref<2x2x200x64xf32, #tpu.memory_space<vmem>> -> memref<1x2x200x64xf32, #tpu.memory_space<vmem>>
          %dma_wait3A_218 = tpu.memref_squeeze %dma_wait3A_217 : memref<1x2x200x64xf32, #tpu.memory_space<vmem>> -> memref<2x200x64xf32, #tpu.memory_space<vmem>>
          %dma_wait3A_219 = arith.constant 0 : i32
          %dma_wait3A_220 = arith.constant 0 : i32
          %dma_wait3A_221 = arith.constant 0 : i32
          %dma_wait3A_222 = tpu.memref_slice %arg4[%dma_wait3A_219, %dma_wait3A_220, %dma_wait3A_221] : memref<2048x200x64xf32, #tpu.memory_space<hbm>> -> memref<2x200x64xf32, #tpu.memory_space<hbm>>
          %dma_wait3A_223 = tpu.memref_slice %arg8[%dma_wait3A_213] : memref<2x!tpu.dma_semaphore, #tpu.memory_space<semaphore_mem>> -> memref<1x!tpu.dma_semaphore, #tpu.memory_space<semaphore_mem>>
          %dma_wait3A_224 = tpu.memref_squeeze %dma_wait3A_223 : memref<1x!tpu.dma_semaphore, #tpu.memory_space<semaphore_mem>> -> memref<!tpu.dma_semaphore, #tpu.memory_space<semaphore_mem>>
          %dma_wait3A_225 = arith.constant 0 : i32
          %dma_wait3A_226 = arith.constant 0 : i32
          %dma_wait3A_227 = arith.constant 0 : i32
          %dma_wait3A_228 = tpu.memref_slice %arg4[%dma_wait3A_225, %dma_wait3A_226, %dma_wait3A_227] : memref<2048x200x64xf32, #tpu.memory_space<hbm>> -> memref<2x200x64xf32, #tpu.memory_space<hbm>>
          %dma_wait3A_229 = arith.constant 0 : i32
          %dma_wait3A_230 = arith.constant 0 : i32
          %dma_wait3A_231 = arith.constant 0 : i32
          %dma_wait3A_232 = tpu.memref_slice %arg6[%dma_wait3A_212, %dma_wait3A_229, %dma_wait3A_230, %dma_wait3A_231] : memref<2x2x200x64xf32, #tpu.memory_space<vmem>> -> memref<1x2x200x64xf32, #tpu.memory_space<vmem>>
          %dma_wait3A_233 = tpu.memref_squeeze %dma_wait3A_232 : memref<1x2x200x64xf32, #tpu.memory_space<vmem>> -> memref<2x200x64xf32, #tpu.memory_space<vmem>>
          tpu.wait_dma2 semaphore(%dma_wait3A_224 : memref<!tpu.dma_semaphore, #tpu.memory_space<semaphore_mem>>) src(%dma_wait3A_233 : memref<2x200x64xf32, #tpu.memory_space<vmem>>) dst(%dma_wait3A_228 : memref<2x200x64xf32, #tpu.memory_space<hbm>>)
        } else {
        }
        %add3A_150 = arith.constant 1 : i32
        %add3A_151 = arith.addi %add3A_131, %add3A_150 : i32
        %dma_start3A_152 = arith.constant 0 : i32
        %dma_start3A_153 = arith.constant 0 : i32
        %dma_start3A_154 = arith.constant 0 : i32
        %dma_start3A_155 = arith.constant 0 : i32
        %dma_start3A_156 = arith.constant 0 : i32
        %dma_start3A_157 = tpu.memref_slice %arg6[%dma_start3A_152, %dma_start3A_153, %dma_start3A_155, %dma_start3A_156] : memref<2x2x200x64xf32, #tpu.memory_space<vmem>> -> memref<1x1x128x64xf32, #tpu.memory_space<vmem>>
        %dma_start3A_158 = tpu.memref_squeeze %dma_start3A_157 : memref<1x1x128x64xf32, #tpu.memory_space<vmem>> -> memref<128x64xf32, #tpu.memory_space<vmem>>
        %dma_start3A_159 = arith.constant 0 : i32
        %dma_start3A_160 = tpu.memref_slice %arg5[%add3A_151, %dma_start3A_159] : memref<32x400xi32, #tpu.memory_space<vmem>> -> memref<1x128xi32, #tpu.memory_space<vmem>>
        %dma_start3A_161 = tpu.memref_squeeze %dma_start3A_160 : memref<1x128xi32, #tpu.memory_space<vmem>> -> memref<128xi32, #tpu.memory_space<vmem>>
        %dma_start3A_162 = arith.constant 0 : i32
        %dma_start3A_163 = arith.constant 0 : i32
        %dma_start3A_164 = tpu.memref_slice %arg3[%dma_start3A_162, %dma_start3A_163] : memref<1000000x64xf32, #tpu.memory_space<hbm>> -> memref<1000000x64xf32, #tpu.memory_space<hbm>>
        %dma_start3A_165 = tpu.memref_slice %arg7[%dma_start3A_154] : memref<2x!tpu.dma_semaphore, #tpu.memory_space<semaphore_mem>> -> memref<1x!tpu.dma_semaphore, #tpu.memory_space<semaphore_mem>>
        %dma_start3A_166 = tpu.memref_squeeze %dma_start3A_165 : memref<1x!tpu.dma_semaphore, #tpu.memory_space<semaphore_mem>> -> memref<!tpu.dma_semaphore, #tpu.memory_space<semaphore_mem>>
        tpu.enqueue_indirect_dma source(%dma_start3A_164 : memref<1000000x64xf32, #tpu.memory_space<hbm>>) target(%dma_start3A_158 : memref<128x64xf32, #tpu.memory_space<vmem>>) offsets(%dma_start3A_161 : memref<128xi32, #tpu.memory_space<vmem>>) semaphore(%dma_start3A_166 : memref<!tpu.dma_semaphore, #tpu.memory_space<semaphore_mem>>)
        %dma_start3A_167 = arith.constant 0 : i32
        %dma_start3A_168 = arith.constant 0 : i32
        %dma_start3A_169 = arith.constant 0 : i32
        %dma_start3A_170 = arith.constant 128 : i32
        %dma_start3A_171 = arith.constant 0 : i32
        %dma_start3A_172 = tpu.memref_slice %arg6[%dma_start3A_167, %dma_start3A_168, %dma_start3A_170, %dma_start3A_171] : memref<2x2x200x64xf32, #tpu.memory_space<vmem>> -> memref<1x1x72x64xf32, #tpu.memory_space<vmem>>
        %dma_start3A_173 = tpu.memref_squeeze %dma_start3A_172 : memref<1x1x72x64xf32, #tpu.memory_space<vmem>> -> memref<72x64xf32, #tpu.memory_space<vmem>>
        %dma_start3A_174 = arith.constant 128 : i32
        %dma_start3A_175 = tpu.memref_slice %arg5[%add3A_151, %dma_start3A_174] : memref<32x400xi32, #tpu.memory_space<vmem>> -> memref<1x72xi32, #tpu.memory_space<vmem>>
        %dma_start3A_176 = tpu.memref_squeeze %dma_start3A_175 : memref<1x72xi32, #tpu.memory_space<vmem>> -> memref<72xi32, #tpu.memory_space<vmem>>
        %dma_start3A_177 = arith.constant 0 : i32
        %dma_start3A_178 = arith.constant 0 : i32
        %dma_start3A_179 = tpu.memref_slice %arg3[%dma_start3A_177, %dma_start3A_178] : memref<1000000x64xf32, #tpu.memory_space<hbm>> -> memref<1000000x64xf32, #tpu.memory_space<hbm>>
        %dma_start3A_180 = tpu.memref_slice %arg7[%dma_start3A_169] : memref<2x!tpu.dma_semaphore, #tpu.memory_space<semaphore_mem>> -> memref<1x!tpu.dma_semaphore, #tpu.memory_space<semaphore_mem>>
        %dma_start3A_181 = tpu.memref_squeeze %dma_start3A_180 : memref<1x!tpu.dma_semaphore, #tpu.memory_space<semaphore_mem>> -> memref<!tpu.dma_semaphore, #tpu.memory_space<semaphore_mem>>
        tpu.enqueue_indirect_dma source(%dma_start3A_179 : memref<1000000x64xf32, #tpu.memory_space<hbm>>) target(%dma_start3A_173 : memref<72x64xf32, #tpu.memory_space<vmem>>) offsets(%dma_start3A_176 : memref<72xi32, #tpu.memory_space<vmem>>) semaphore(%dma_start3A_181 : memref<!tpu.dma_semaphore, #tpu.memory_space<semaphore_mem>>)
        %dma_start3A_182 = arith.constant 0 : i32
        %dma_start3A_183 = arith.constant 1 : i32
        %dma_start3A_184 = arith.constant 0 : i32
        %dma_start3A_185 = arith.constant 0 : i32
        %dma_start3A_186 = arith.constant 0 : i32
        %dma_start3A_187 = tpu.memref_slice %arg6[%dma_start3A_182, %dma_start3A_183, %dma_start3A_185, %dma_start3A_186] : memref<2x2x200x64xf32, #tpu.memory_space<vmem>> -> memref<1x1x128x64xf32, #tpu.memory_space<vmem>>
        %dma_start3A_188 = tpu.memref_squeeze %dma_start3A_187 : memref<1x1x128x64xf32, #tpu.memory_space<vmem>> -> memref<128x64xf32, #tpu.memory_space<vmem>>
        %dma_start3A_189 = arith.constant 200 : i32
        %dma_start3A_190 = tpu.memref_slice %arg5[%add3A_151, %dma_start3A_189] : memref<32x400xi32, #tpu.memory_space<vmem>> -> memref<1x128xi32, #tpu.memory_space<vmem>>
        %dma_start3A_191 = tpu.memref_squeeze %dma_start3A_190 : memref<1x128xi32, #tpu.memory_space<vmem>> -> memref<128xi32, #tpu.memory_space<vmem>>
        %dma_start3A_192 = arith.constant 0 : i32
        %dma_start3A_193 = arith.constant 0 : i32
        %dma_start3A_194 = tpu.memref_slice %arg3[%dma_start3A_192, %dma_start3A_193] : memref<1000000x64xf32, #tpu.memory_space<hbm>> -> memref<1000000x64xf32, #tpu.memory_space<hbm>>
        %dma_start3A_195 = tpu.memref_slice %arg7[%dma_start3A_184] : memref<2x!tpu.dma_semaphore, #tpu.memory_space<semaphore_mem>> -> memref<1x!tpu.dma_semaphore, #tpu.memory_space<semaphore_mem>>
        %dma_start3A_196 = tpu.memref_squeeze %dma_start3A_195 : memref<1x!tpu.dma_semaphore, #tpu.memory_space<semaphore_mem>> -> memref<!tpu.dma_semaphore, #tpu.memory_space<semaphore_mem>>
        tpu.enqueue_indirect_dma source(%dma_start3A_194 : memref<1000000x64xf32, #tpu.memory_space<hbm>>) target(%dma_start3A_188 : memref<128x64xf32, #tpu.memory_space<vmem>>) offsets(%dma_start3A_191 : memref<128xi32, #tpu.memory_space<vmem>>) semaphore(%dma_start3A_196 : memref<!tpu.dma_semaphore, #tpu.memory_space<semaphore_mem>>)
        %dma_start3A_197 = arith.constant 0 : i32
        %dma_start3A_198 = arith.constant 1 : i32
        %dma_start3A_199 = arith.constant 0 : i32
        %dma_start3A_200 = arith.constant 128 : i32
        %dma_start3A_201 = arith.constant 0 : i32
        %dma_start3A_202 = tpu.memref_slice %arg6[%dma_start3A_197, %dma_start3A_198, %dma_start3A_200, %dma_start3A_201] : memref<2x2x200x64xf32, #tpu.memory_space<vmem>> -> memref<1x1x72x64xf32, #tpu.memory_space<vmem>>
        %dma_start3A_203 = tpu.memref_squeeze %dma_start3A_202 : memref<1x1x72x64xf32, #tpu.memory_space<vmem>> -> memref<72x64xf32, #tpu.memory_space<vmem>>
        %dma_start3A_204 = arith.constant 328 : i32
        %dma_start3A_205 = tpu.memref_slice %arg5[%add3A_151, %dma_start3A_204] : memref<32x400xi32, #tpu.memory_space<vmem>> -> memref<1x72xi32, #tpu.memory_space<vmem>>
        %dma_start3A_206 = tpu.memref_squeeze %dma_start3A_205 : memref<1x72xi32, #tpu.memory_space<vmem>> -> memref<72xi32, #tpu.memory_space<vmem>>
        %dma_start3A_207 = arith.constant 0 : i32
        %dma_start3A_208 = arith.constant 0 : i32
        %dma_start3A_209 = tpu.memref_slice %arg3[%dma_start3A_207, %dma_start3A_208] : memref<1000000x64xf32, #tpu.memory_space<hbm>> -> memref<1000000x64xf32, #tpu.memory_space<hbm>>
        %dma_start3A_210 = tpu.memref_slice %arg7[%dma_start3A_199] : memref<2x!tpu.dma_semaphore, #tpu.memory_space<semaphore_mem>> -> memref<1x!tpu.dma_semaphore, #tpu.memory_space<semaphore_mem>>
        %dma_start3A_211 = tpu.memref_squeeze %dma_start3A_210 : memref<1x!tpu.dma_semaphore, #tpu.memory_space<semaphore_mem>> -> memref<!tpu.dma_semaphore, #tpu.memory_space<semaphore_mem>>
        tpu.enqueue_indirect_dma source(%dma_start3A_209 : memref<1000000x64xf32, #tpu.memory_space<hbm>>) target(%dma_start3A_203 : memref<72x64xf32, #tpu.memory_space<vmem>>) offsets(%dma_start3A_206 : memref<72xi32, #tpu.memory_space<vmem>>) semaphore(%dma_start3A_211 : memref<!tpu.dma_semaphore, #tpu.memory_space<semaphore_mem>>)
      } else {
      }
      %lt3A_139 = arith.constant 32 : i32
      %lt3A_140 = arith.cmpi slt, %add3A_131, %lt3A_139 : i32
      %convert_element_type3A_141 = arith.extui %lt3A_140 : i1 to i32
      %cond3A_142 = arith.constant 0 : i32
      %cond3A_143 = arith.cmpi ne, %convert_element_type3A_141, %cond3A_142 : i32
      scf.if %cond3A_143 {
        %dma_wait3A_144 = arith.constant 1 : i32
        %dma_wait3A_145 = arith.constant 0 : i32
        %dma_wait3A_146 = arith.constant 1 : i32
        %dma_wait3A_147 = arith.constant 0 : i32
        %dma_wait3A_148 = arith.constant 0 : i32
        %dma_wait3A_149 = tpu.memref_slice %arg6[%dma_wait3A_144, %dma_wait3A_145, %dma_wait3A_147, %dma_wait3A_148] : memref<2x2x200x64xf32, #tpu.memory_space<vmem>> -> memref<1x1x128x64xf32, #tpu.memory_space<vmem>>
        %dma_wait3A_150 = tpu.memref_squeeze %dma_wait3A_149 : memref<1x1x128x64xf32, #tpu.memory_space<vmem>> -> memref<128x64xf32, #tpu.memory_space<vmem>>
        %dma_wait3A_151 = arith.constant 0 : i32
        %dma_wait3A_152 = arith.constant 0 : i32
        %dma_wait3A_153 = tpu.memref_slice %arg3[%dma_wait3A_151, %dma_wait3A_152] : memref<1000000x64xf32, #tpu.memory_space<hbm>> -> memref<128x64xf32, #tpu.memory_space<hbm>>
        %dma_wait3A_154 = tpu.memref_slice %arg7[%dma_wait3A_146] : memref<2x!tpu.dma_semaphore, #tpu.memory_space<semaphore_mem>> -> memref<1x!tpu.dma_semaphore, #tpu.memory_space<semaphore_mem>>
        %dma_wait3A_155 = tpu.memref_squeeze %dma_wait3A_154 : memref<1x!tpu.dma_semaphore, #tpu.memory_space<semaphore_mem>> -> memref<!tpu.dma_semaphore, #tpu.memory_space<semaphore_mem>>
        %dma_wait3A_156 = arith.constant 0 : i32
        %dma_wait3A_157 = arith.constant 0 : i32
        %dma_wait3A_158 = tpu.memref_slice %arg6[%dma_wait3A_144, %dma_wait3A_145, %dma_wait3A_156, %dma_wait3A_157] : memref<2x2x200x64xf32, #tpu.memory_space<vmem>> -> memref<1x1x128x64xf32, #tpu.memory_space<vmem>>
        %dma_wait3A_159 = tpu.memref_squeeze %dma_wait3A_158 : memref<1x1x128x64xf32, #tpu.memory_space<vmem>> -> memref<128x64xf32, #tpu.memory_space<vmem>>
        %dma_wait3A_160 = arith.constant 0 : i32
        %dma_wait3A_161 = arith.constant 0 : i32
        %dma_wait3A_162 = tpu.memref_slice %arg3[%dma_wait3A_160, %dma_wait3A_161] : memref<1000000x64xf32, #tpu.memory_space<hbm>> -> memref<128x64xf32, #tpu.memory_space<hbm>>
        tpu.wait_dma2 semaphore(%dma_wait3A_155 : memref<!tpu.dma_semaphore, #tpu.memory_space<semaphore_mem>>) src(%dma_wait3A_162 : memref<128x64xf32, #tpu.memory_space<hbm>>) dst(%dma_wait3A_159 : memref<128x64xf32, #tpu.memory_space<vmem>>)
        %dma_wait3A_163 = arith.constant 1 : i32
        %dma_wait3A_164 = arith.constant 0 : i32
        %dma_wait3A_165 = arith.constant 1 : i32
        %dma_wait3A_166 = arith.constant 128 : i32
        %dma_wait3A_167 = arith.constant 0 : i32
        %dma_wait3A_168 = tpu.memref_slice %arg6[%dma_wait3A_163, %dma_wait3A_164, %dma_wait3A_166, %dma_wait3A_167] : memref<2x2x200x64xf32, #tpu.memory_space<vmem>> -> memref<1x1x72x64xf32, #tpu.memory_space<vmem>>
        %dma_wait3A_169 = tpu.memref_squeeze %dma_wait3A_168 : memref<1x1x72x64xf32, #tpu.memory_space<vmem>> -> memref<72x64xf32, #tpu.memory_space<vmem>>
        %dma_wait3A_170 = arith.constant 0 : i32
        %dma_wait3A_171 = arith.constant 0 : i32
        %dma_wait3A_172 = tpu.memref_slice %arg3[%dma_wait3A_170, %dma_wait3A_171] : memref<1000000x64xf32, #tpu.memory_space<hbm>> -> memref<72x64xf32, #tpu.memory_space<hbm>>
        %dma_wait3A_173 = tpu.memref_slice %arg7[%dma_wait3A_165] : memref<2x!tpu.dma_semaphore, #tpu.memory_space<semaphore_mem>> -> memref<1x!tpu.dma_semaphore, #tpu.memory_space<semaphore_mem>>
        %dma_wait3A_174 = tpu.memref_squeeze %dma_wait3A_173 : memref<1x!tpu.dma_semaphore, #tpu.memory_space<semaphore_mem>> -> memref<!tpu.dma_semaphore, #tpu.memory_space<semaphore_mem>>
        %dma_wait3A_175 = arith.constant 128 : i32
        %dma_wait3A_176 = arith.constant 0 : i32
        %dma_wait3A_177 = tpu.memref_slice %arg6[%dma_wait3A_163, %dma_wait3A_164, %dma_wait3A_175, %dma_wait3A_176] : memref<2x2x200x64xf32, #tpu.memory_space<vmem>> -> memref<1x1x72x64xf32, #tpu.memory_space<vmem>>
        %dma_wait3A_178 = tpu.memref_squeeze %dma_wait3A_177 : memref<1x1x72x64xf32, #tpu.memory_space<vmem>> -> memref<72x64xf32, #tpu.memory_space<vmem>>
        %dma_wait3A_179 = arith.constant 0 : i32
        %dma_wait3A_180 = arith.constant 0 : i32
        %dma_wait3A_181 = tpu.memref_slice %arg3[%dma_wait3A_179, %dma_wait3A_180] : memref<1000000x64xf32, #tpu.memory_space<hbm>> -> memref<72x64xf32, #tpu.memory_space<hbm>>
        tpu.wait_dma2 semaphore(%dma_wait3A_174 : memref<!tpu.dma_semaphore, #tpu.memory_space<semaphore_mem>>) src(%dma_wait3A_181 : memref<72x64xf32, #tpu.memory_space<hbm>>) dst(%dma_wait3A_178 : memref<72x64xf32, #tpu.memory_space<vmem>>)
        %dma_wait3A_182 = arith.constant 1 : i32
        %dma_wait3A_183 = arith.constant 1 : i32
        %dma_wait3A_184 = arith.constant 1 : i32
        %dma_wait3A_185 = arith.constant 0 : i32
        %dma_wait3A_186 = arith.constant 0 : i32
        %dma_wait3A_187 = tpu.memref_slice %arg6[%dma_wait3A_182, %dma_wait3A_183, %dma_wait3A_185, %dma_wait3A_186] : memref<2x2x200x64xf32, #tpu.memory_space<vmem>> -> memref<1x1x128x64xf32, #tpu.memory_space<vmem>>
        %dma_wait3A_188 = tpu.memref_squeeze %dma_wait3A_187 : memref<1x1x128x64xf32, #tpu.memory_space<vmem>> -> memref<128x64xf32, #tpu.memory_space<vmem>>
        %dma_wait3A_189 = arith.constant 0 : i32
        %dma_wait3A_190 = arith.constant 0 : i32
        %dma_wait3A_191 = tpu.memref_slice %arg3[%dma_wait3A_189, %dma_wait3A_190] : memref<1000000x64xf32, #tpu.memory_space<hbm>> -> memref<128x64xf32, #tpu.memory_space<hbm>>
        %dma_wait3A_192 = tpu.memref_slice %arg7[%dma_wait3A_184] : memref<2x!tpu.dma_semaphore, #tpu.memory_space<semaphore_mem>> -> memref<1x!tpu.dma_semaphore, #tpu.memory_space<semaphore_mem>>
        %dma_wait3A_193 = tpu.memref_squeeze %dma_wait3A_192 : memref<1x!tpu.dma_semaphore, #tpu.memory_space<semaphore_mem>> -> memref<!tpu.dma_semaphore, #tpu.memory_space<semaphore_mem>>
        %dma_wait3A_194 = arith.constant 0 : i32
        %dma_wait3A_195 = arith.constant 0 : i32
        %dma_wait3A_196 = tpu.memref_slice %arg6[%dma_wait3A_182, %dma_wait3A_183, %dma_wait3A_194, %dma_wait3A_195] : memref<2x2x200x64xf32, #tpu.memory_space<vmem>> -> memref<1x1x128x64xf32, #tpu.memory_space<vmem>>
        %dma_wait3A_197 = tpu.memref_squeeze %dma_wait3A_196 : memref<1x1x128x64xf32, #tpu.memory_space<vmem>> -> memref<128x64xf32, #tpu.memory_space<vmem>>
        %dma_wait3A_198 = arith.constant 0 : i32
        %dma_wait3A_199 = arith.constant 0 : i32
        %dma_wait3A_200 = tpu.memref_slice %arg3[%dma_wait3A_198, %dma_wait3A_199] : memref<1000000x64xf32, #tpu.memory_space<hbm>> -> memref<128x64xf32, #tpu.memory_space<hbm>>
        tpu.wait_dma2 semaphore(%dma_wait3A_193 : memref<!tpu.dma_semaphore, #tpu.memory_space<semaphore_mem>>) src(%dma_wait3A_200 : memref<128x64xf32, #tpu.memory_space<hbm>>) dst(%dma_wait3A_197 : memref<128x64xf32, #tpu.memory_space<vmem>>)
        %dma_wait3A_201 = arith.constant 1 : i32
        %dma_wait3A_202 = arith.constant 1 : i32
        %dma_wait3A_203 = arith.constant 1 : i32
        %dma_wait3A_204 = arith.constant 128 : i32
        %dma_wait3A_205 = arith.constant 0 : i32
        %dma_wait3A_206 = tpu.memref_slice %arg6[%dma_wait3A_201, %dma_wait3A_202, %dma_wait3A_204, %dma_wait3A_205] : memref<2x2x200x64xf32, #tpu.memory_space<vmem>> -> memref<1x1x72x64xf32, #tpu.memory_space<vmem>>
        %dma_wait3A_207 = tpu.memref_squeeze %dma_wait3A_206 : memref<1x1x72x64xf32, #tpu.memory_space<vmem>> -> memref<72x64xf32, #tpu.memory_space<vmem>>
        %dma_wait3A_208 = arith.constant 0 : i32
        %dma_wait3A_209 = arith.constant 0 : i32
        %dma_wait3A_210 = tpu.memref_slice %arg3[%dma_wait3A_208, %dma_wait3A_209] : memref<1000000x64xf32, #tpu.memory_space<hbm>> -> memref<72x64xf32, #tpu.memory_space<hbm>>
        %dma_wait3A_211 = tpu.memref_slice %arg7[%dma_wait3A_203] : memref<2x!tpu.dma_semaphore, #tpu.memory_space<semaphore_mem>> -> memref<1x!tpu.dma_semaphore, #tpu.memory_space<semaphore_mem>>
        %dma_wait3A_212 = tpu.memref_squeeze %dma_wait3A_211 : memref<1x!tpu.dma_semaphore, #tpu.memory_space<semaphore_mem>> -> memref<!tpu.dma_semaphore, #tpu.memory_space<semaphore_mem>>
        %dma_wait3A_213 = arith.constant 128 : i32
        %dma_wait3A_214 = arith.constant 0 : i32
        %dma_wait3A_215 = tpu.memref_slice %arg6[%dma_wait3A_201, %dma_wait3A_202, %dma_wait3A_213, %dma_wait3A_214] : memref<2x2x200x64xf32, #tpu.memory_space<vmem>> -> memref<1x1x72x64xf32, #tpu.memory_space<vmem>>
        %dma_wait3A_216 = tpu.memref_squeeze %dma_wait3A_215 : memref<1x1x72x64xf32, #tpu.memory_space<vmem>> -> memref<72x64xf32, #tpu.memory_space<vmem>>
        %dma_wait3A_217 = arith.constant 0 : i32
        %dma_wait3A_218 = arith.constant 0 : i32
        %dma_wait3A_219 = tpu.memref_slice %arg3[%dma_wait3A_217, %dma_wait3A_218] : memref<1000000x64xf32, #tpu.memory_space<hbm>> -> memref<72x64xf32, #tpu.memory_space<hbm>>
        tpu.wait_dma2 semaphore(%dma_wait3A_212 : memref<!tpu.dma_semaphore, #tpu.memory_space<semaphore_mem>>) src(%dma_wait3A_219 : memref<72x64xf32, #tpu.memory_space<hbm>>) dst(%dma_wait3A_216 : memref<72x64xf32, #tpu.memory_space<vmem>>)
        %mul3A_220 = arith.constant 2 : i32
        %mul3A_221 = arith.muli %add3A_131, %mul3A_220 : i32
        %add3A_222 = arith.addi %mul3A_2, %mul3A_221 : i32
        %dma_start3A_223 = arith.constant 1 : i32
        %dma_start3A_224 = arith.constant 1 : i32
        %dma_start3A_225 = arith.constant 0 : i32
        %dma_start3A_226 = arith.constant 0 : i32
        %dma_start3A_227 = arith.constant 0 : i32
        %dma_start3A_228 = tpu.memref_slice %arg6[%dma_start3A_223, %dma_start3A_225, %dma_start3A_226, %dma_start3A_227] : memref<2x2x200x64xf32, #tpu.memory_space<vmem>> -> memref<1x2x200x64xf32, #tpu.memory_space<vmem>>
        %dma_start3A_229 = tpu.memref_squeeze %dma_start3A_228 : memref<1x2x200x64xf32, #tpu.memory_space<vmem>> -> memref<2x200x64xf32, #tpu.memory_space<vmem>>
        %dma_start3A_230 = arith.constant 0 : i32
        %dma_start3A_231 = arith.constant 0 : i32
        %dma_start3A_232 = tpu.memref_slice %arg4[%add3A_222, %dma_start3A_230, %dma_start3A_231] : memref<2048x200x64xf32, #tpu.memory_space<hbm>> -> memref<2x200x64xf32, #tpu.memory_space<hbm>>
        %dma_start3A_233 = tpu.memref_slice %arg8[%dma_start3A_224] : memref<2x!tpu.dma_semaphore, #tpu.memory_space<semaphore_mem>> -> memref<1x!tpu.dma_semaphore, #tpu.memory_space<semaphore_mem>>
        %dma_start3A_234 = tpu.memref_squeeze %dma_start3A_233 : memref<1x!tpu.dma_semaphore, #tpu.memory_space<semaphore_mem>> -> memref<!tpu.dma_semaphore, #tpu.memory_space<semaphore_mem>>
        %dma_start3A_235 = arith.constant 0 : i32
        %dma_start3A_236 = arith.constant 0 : i32
        %dma_start3A_237 = tpu.memref_slice %arg4[%add3A_222, %dma_start3A_235, %dma_start3A_236] : memref<2048x200x64xf32, #tpu.memory_space<hbm>> -> memref<2x200x64xf32, #tpu.memory_space<hbm>>
        %dma_start3A_238 = arith.constant 0 : i32
        %dma_start3A_239 = arith.constant 0 : i32
        %dma_start3A_240 = arith.constant 0 : i32
        %dma_start3A_241 = tpu.memref_slice %arg6[%dma_start3A_223, %dma_start3A_238, %dma_start3A_239, %dma_start3A_240] : memref<2x2x200x64xf32, #tpu.memory_space<vmem>> -> memref<1x2x200x64xf32, #tpu.memory_space<vmem>>
        %dma_start3A_242 = tpu.memref_squeeze %dma_start3A_241 : memref<1x2x200x64xf32, #tpu.memory_space<vmem>> -> memref<2x200x64xf32, #tpu.memory_space<vmem>>
        tpu.enqueue_dma source(%dma_start3A_242 : memref<2x200x64xf32, #tpu.memory_space<vmem>>) target(%dma_start3A_237 : memref<2x200x64xf32, #tpu.memory_space<hbm>>) target_semaphore(%dma_start3A_234 : memref<!tpu.dma_semaphore, #tpu.memory_space<semaphore_mem>>)
      } else {
      }
    }
    %scan3A_70 = arith.constant 16 : i32
    %dma_wait3A = arith.constant 0 : i32
    %dma_wait3A_71 = arith.constant 0 : i32
    %dma_wait3A_72 = arith.constant 0 : i32
    %dma_wait3A_73 = arith.constant 0 : i32
    %dma_wait3A_74 = arith.constant 0 : i32
    %dma_wait3A_75 = tpu.memref_slice %arg6[%dma_wait3A, %dma_wait3A_72, %dma_wait3A_73, %dma_wait3A_74] : memref<2x2x200x64xf32, #tpu.memory_space<vmem>> -> memref<1x2x200x64xf32, #tpu.memory_space<vmem>>
    %dma_wait3A_76 = tpu.memref_squeeze %dma_wait3A_75 : memref<1x2x200x64xf32, #tpu.memory_space<vmem>> -> memref<2x200x64xf32, #tpu.memory_space<vmem>>
    %dma_wait3A_77 = arith.constant 0 : i32
    %dma_wait3A_78 = arith.constant 0 : i32
    %dma_wait3A_79 = arith.constant 0 : i32
    %dma_wait3A_80 = tpu.memref_slice %arg4[%dma_wait3A_77, %dma_wait3A_78, %dma_wait3A_79] : memref<2048x200x64xf32, #tpu.memory_space<hbm>> -> memref<2x200x64xf32, #tpu.memory_space<hbm>>
    %dma_wait3A_81 = tpu.memref_slice %arg8[%dma_wait3A_71] : memref<2x!tpu.dma_semaphore, #tpu.memory_space<semaphore_mem>> -> memref<1x!tpu.dma_semaphore, #tpu.memory_space<semaphore_mem>>
    %dma_wait3A_82 = tpu.memref_squeeze %dma_wait3A_81 : memref<1x!tpu.dma_semaphore, #tpu.memory_space<semaphore_mem>> -> memref<!tpu.dma_semaphore, #tpu.memory_space<semaphore_mem>>
    %dma_wait3A_83 = arith.constant 0 : i32
    %dma_wait3A_84 = arith.constant 0 : i32
    %dma_wait3A_85 = arith.constant 0 : i32
    %dma_wait3A_86 = tpu.memref_slice %arg4[%dma_wait3A_83, %dma_wait3A_84, %dma_wait3A_85] : memref<2048x200x64xf32, #tpu.memory_space<hbm>> -> memref<2x200x64xf32, #tpu.memory_space<hbm>>
    %dma_wait3A_87 = arith.constant 0 : i32
    %dma_wait3A_88 = arith.constant 0 : i32
    %dma_wait3A_89 = arith.constant 0 : i32
    %dma_wait3A_90 = tpu.memref_slice %arg6[%dma_wait3A, %dma_wait3A_87, %dma_wait3A_88, %dma_wait3A_89] : memref<2x2x200x64xf32, #tpu.memory_space<vmem>> -> memref<1x2x200x64xf32, #tpu.memory_space<vmem>>
    %dma_wait3A_91 = tpu.memref_squeeze %dma_wait3A_90 : memref<1x2x200x64xf32, #tpu.memory_space<vmem>> -> memref<2x200x64xf32, #tpu.memory_space<vmem>>
    tpu.wait_dma2 semaphore(%dma_wait3A_82 : memref<!tpu.dma_semaphore, #tpu.memory_space<semaphore_mem>>) src(%dma_wait3A_91 : memref<2x200x64xf32, #tpu.memory_space<vmem>>) dst(%dma_wait3A_86 : memref<2x200x64xf32, #tpu.memory_space<hbm>>)
    %dma_wait3A_92 = arith.constant 1 : i32
    %dma_wait3A_93 = arith.constant 1 : i32
    %dma_wait3A_94 = arith.constant 0 : i32
    %dma_wait3A_95 = arith.constant 0 : i32
    %dma_wait3A_96 = arith.constant 0 : i32
    %dma_wait3A_97 = tpu.memref_slice %arg6[%dma_wait3A_92, %dma_wait3A_94, %dma_wait3A_95, %dma_wait3A_96] : memref<2x2x200x64xf32, #tpu.memory_space<vmem>> -> memref<1x2x200x64xf32, #tpu.memory_space<vmem>>
    %dma_wait3A_98 = tpu.memref_squeeze %dma_wait3A_97 : memref<1x2x200x64xf32, #tpu.memory_space<vmem>> -> memref<2x200x64xf32, #tpu.memory_space<vmem>>
    %dma_wait3A_99 = arith.constant 0 : i32
    %dma_wait3A_100 = arith.constant 0 : i32
    %dma_wait3A_101 = arith.constant 0 : i32
    %dma_wait3A_102 = tpu.memref_slice %arg4[%dma_wait3A_99, %dma_wait3A_100, %dma_wait3A_101] : memref<2048x200x64xf32, #tpu.memory_space<hbm>> -> memref<2x200x64xf32, #tpu.memory_space<hbm>>
    %dma_wait3A_103 = tpu.memref_slice %arg8[%dma_wait3A_93] : memref<2x!tpu.dma_semaphore, #tpu.memory_space<semaphore_mem>> -> memref<1x!tpu.dma_semaphore, #tpu.memory_space<semaphore_mem>>
    %dma_wait3A_104 = tpu.memref_squeeze %dma_wait3A_103 : memref<1x!tpu.dma_semaphore, #tpu.memory_space<semaphore_mem>> -> memref<!tpu.dma_semaphore, #tpu.memory_space<semaphore_mem>>
    %dma_wait3A_105 = arith.constant 0 : i32
    %dma_wait3A_106 = arith.constant 0 : i32
    %dma_wait3A_107 = arith.constant 0 : i32
    %dma_wait3A_108 = tpu.memref_slice %arg4[%dma_wait3A_105, %dma_wait3A_106, %dma_wait3A_107] : memref<2048x200x64xf32, #tpu.memory_space<hbm>> -> memref<2x200x64xf32, #tpu.memory_space<hbm>>
    %dma_wait3A_109 = arith.constant 0 : i32
    %dma_wait3A_110 = arith.constant 0 : i32
    %dma_wait3A_111 = arith.constant 0 : i32
    %dma_wait3A_112 = tpu.memref_slice %arg6[%dma_wait3A_92, %dma_wait3A_109, %dma_wait3A_110, %dma_wait3A_111] : memref<2x2x200x64xf32, #tpu.memory_space<vmem>> -> memref<1x2x200x64xf32, #tpu.memory_space<vmem>>
    %dma_wait3A_113 = tpu.memref_squeeze %dma_wait3A_112 : memref<1x2x200x64xf32, #tpu.memory_space<vmem>> -> memref<2x200x64xf32, #tpu.memory_space<vmem>>
    tpu.wait_dma2 semaphore(%dma_wait3A_104 : memref<!tpu.dma_semaphore, #tpu.memory_space<semaphore_mem>>) src(%dma_wait3A_113 : memref<2x200x64xf32, #tpu.memory_space<vmem>>) dst(%dma_wait3A_108 : memref<2x200x64xf32, #tpu.memory_space<hbm>>)
    return
  }
}

#map = affine_map<(d0, d1) -> (0, 0, 0)>
#map1 = affine_map<(d0, d1) -> (0, 0)>
module attributes {stable_mosaic.version = 14 : i64} {
  func.func @_sc_gather(%arg0: i32, %arg1: i32, %arg2: memref<32x32x400xi32, #tpu.memory_space<hbm>>, %arg3: memref<1000000x64xf32, #tpu.memory_space<hbm>>, %arg4: memref<2048x200x64xf32, #tpu.memory_space<hbm>>, %arg5: memref<32x400xi32, #tpu.memory_space<vmem>>, %arg6: memref<2x2x200x64xf32, #tpu.memory_space<vmem>>, %arg7: memref<2x!tpu.dma_semaphore, #tpu.memory_space<semaphore_mem>>, %arg8: memref<2x!tpu.dma_semaphore, #tpu.memory_space<semaphore_mem>>) attributes {dimension_semantics = [#tpu.dimension_semantics<core_parallel>, #tpu.dimension_semantics<subcore_parallel>], iteration_bounds = array<i64: 2, 16>, scalar_prefetch = 0 : i64, scratch_operands = 4 : i64, tpu.core_type = #tpu.core_type<sc_vector_subcore>, window_params = [{transform_indices = #map}, {transform_indices = #map1}, {transform_indices = #map}]} {
    %mul3A = arith.constant 2 : i32
    %mul3A_0 = arith.muli %arg1, %mul3A : i32
    %add3A = arith.addi %mul3A_0, %arg0 : i32
    %mul3A_1 = arith.constant 64 : i32
    %mul3A_2 = arith.muli %add3A, %mul3A_1 : i32
    "tpu.region"() ({
      %run_scoped3A = tpu.sem_alloc : memref<!tpu.dma_semaphore, #tpu.memory_space<semaphore_mem>>
      %dma_start3A_114 = arith.constant 0 : i32
      %dma_start3A_115 = arith.constant 0 : i32
      %dma_start3A_116 = tpu.memref_slice %arg2[%add3A, %dma_start3A_114, %dma_start3A_115] : memref<32x32x400xi32, #tpu.memory_space<hbm>> -> memref<1x32x400xi32, #tpu.memory_space<hbm>>
      %dma_start3A_117 = tpu.memref_squeeze %dma_start3A_116 : memref<1x32x400xi32, #tpu.memory_space<hbm>> -> memref<32x400xi32, #tpu.memory_space<hbm>>
      %dma_start3A_118 = arith.constant 0 : i32
      %dma_start3A_119 = arith.constant 0 : i32
      %dma_start3A_120 = tpu.memref_slice %arg2[%add3A, %dma_start3A_118, %dma_start3A_119] : memref<32x32x400xi32, #tpu.memory_space<hbm>> -> memref<1x32x400xi32, #tpu.memory_space<hbm>>
      %dma_start3A_121 = tpu.memref_squeeze %dma_start3A_120 : memref<1x32x400xi32, #tpu.memory_space<hbm>> -> memref<32x400xi32, #tpu.memory_space<hbm>>
      tpu.enqueue_dma source(%dma_start3A_121 : memref<32x400xi32, #tpu.memory_space<hbm>>) target(%arg5 : memref<32x400xi32, #tpu.memory_space<vmem>>) target_semaphore(%run_scoped3A : memref<!tpu.dma_semaphore, #tpu.memory_space<semaphore_mem>>)
      %dma_wait3A_122 = arith.constant 0 : i32
      %dma_wait3A_123 = arith.constant 0 : i32
      %dma_wait3A_124 = tpu.memref_slice %arg2[%add3A, %dma_wait3A_122, %dma_wait3A_123] : memref<32x32x400xi32, #tpu.memory_space<hbm>> -> memref<1x32x400xi32, #tpu.memory_space<hbm>>
      %dma_wait3A_125 = tpu.memref_squeeze %dma_wait3A_124 : memref<1x32x400xi32, #tpu.memory_space<hbm>> -> memref<32x400xi32, #tpu.memory_space<hbm>>
      %dma_wait3A_126 = arith.constant 0 : i32
      %dma_wait3A_127 = arith.constant 0 : i32
      %dma_wait3A_128 = tpu.memref_slice %arg2[%add3A, %dma_wait3A_126, %dma_wait3A_127] : memref<32x32x400xi32, #tpu.memory_space<hbm>> -> memref<1x32x400xi32, #tpu.memory_space<hbm>>
      %dma_wait3A_129 = tpu.memref_squeeze %dma_wait3A_128 : memref<1x32x400xi32, #tpu.memory_space<hbm>> -> memref<32x400xi32, #tpu.memory_space<hbm>>
      tpu.wait_dma2 semaphore(%run_scoped3A : memref<!tpu.dma_semaphore, #tpu.memory_space<semaphore_mem>>) src(%dma_wait3A_129 : memref<32x400xi32, #tpu.memory_space<hbm>>) dst(%arg5 : memref<32x400xi32, #tpu.memory_space<vmem>>)
      tpu.yield
    }) : () -> ()
    %dma_start3A = arith.constant 0 : i32
    %dma_start3A_3 = arith.constant 0 : i32
    %dma_start3A_4 = arith.constant 0 : i32
    %dma_start3A_5 = arith.constant 0 : i32
    %dma_start3A_6 = arith.constant 0 : i32
    %dma_start3A_7 = arith.constant 0 : i32
    %dma_start3A_8 = tpu.memref_slice %arg6[%dma_start3A_3, %dma_start3A_4, %dma_start3A_6, %dma_start3A_7] : memref<2x2x200x64xf32, #tpu.memory_space<vmem>> -> memref<1x1x128x64xf32, #tpu.memory_space<vmem>>
    %dma_start3A_9 = tpu.memref_squeeze %dma_start3A_8 : memref<1x1x128x64xf32, #tpu.memory_space<vmem>> -> memref<128x64xf32, #tpu.memory_space<vmem>>
    %dma_start3A_10 = arith.constant 0 : i32
    %dma_start3A_11 = tpu.memref_slice %arg5[%dma_start3A, %dma_start3A_10] : memref<32x400xi32, #tpu.memory_space<vmem>> -> memref<1x128xi32, #tpu.memory_space<vmem>>
    %dma_start3A_12 = tpu.memref_squeeze %dma_start3A_11 : memref<1x128xi32, #tpu.memory_space<vmem>> -> memref<128xi32, #tpu.memory_space<vmem>>
    %dma_start3A_13 = arith.constant 0 : i32
    %dma_start3A_14 = arith.constant 0 : i32
    %dma_start3A_15 = tpu.memref_slice %arg3[%dma_start3A_13, %dma_start3A_14] : memref<1000000x64xf32, #tpu.memory_space<hbm>> -> memref<1000000x64xf32, #tpu.memory_space<hbm>>
    %dma_start3A_16 = tpu.memref_slice %arg7[%dma_start3A_5] : memref<2x!tpu.dma_semaphore, #tpu.memory_space<semaphore_mem>> -> memref<1x!tpu.dma_semaphore, #tpu.memory_space<semaphore_mem>>
    %dma_start3A_17 = tpu.memref_squeeze %dma_start3A_16 : memref<1x!tpu.dma_semaphore, #tpu.memory_space<semaphore_mem>> -> memref<!tpu.dma_semaphore, #tpu.memory_space<semaphore_mem>>
    tpu.enqueue_indirect_dma source(%dma_start3A_15 : memref<1000000x64xf32, #tpu.memory_space<hbm>>) target(%dma_start3A_9 : memref<128x64xf32, #tpu.memory_space<vmem>>) offsets(%dma_start3A_12 : memref<128xi32, #tpu.memory_space<vmem>>) semaphore(%dma_start3A_17 : memref<!tpu.dma_semaphore, #tpu.memory_space<semaphore_mem>>)
    %dma_start3A_18 = arith.constant 0 : i32
    %dma_start3A_19 = arith.constant 0 : i32
    %dma_start3A_20 = arith.constant 0 : i32
    %dma_start3A_21 = arith.constant 0 : i32
    %dma_start3A_22 = arith.constant 128 : i32
    %dma_start3A_23 = arith.constant 0 : i32
    %dma_start3A_24 = tpu.memref_slice %arg6[%dma_start3A_19, %dma_start3A_20, %dma_start3A_22, %dma_start3A_23] : memref<2x2x200x64xf32, #tpu.memory_space<vmem>> -> memref<1x1x72x64xf32, #tpu.memory_space<vmem>>
    %dma_start3A_25 = tpu.memref_squeeze %dma_start3A_24 : memref<1x1x72x64xf32, #tpu.memory_space<vmem>> -> memref<72x64xf32, #tpu.memory_space<vmem>>
    %dma_start3A_26 = arith.constant 128 : i32
    %dma_start3A_27 = tpu.memref_slice %arg5[%dma_start3A_18, %dma_start3A_26] : memref<32x400xi32, #tpu.memory_space<vmem>> -> memref<1x72xi32, #tpu.memory_space<vmem>>
    %dma_start3A_28 = tpu.memref_squeeze %dma_start3A_27 : memref<1x72xi32, #tpu.memory_space<vmem>> -> memref<72xi32, #tpu.memory_space<vmem>>
    %dma_start3A_29 = arith.constant 0 : i32
    %dma_start3A_30 = arith.constant 0 : i32
    %dma_start3A_31 = tpu.memref_slice %arg3[%dma_start3A_29, %dma_start3A_30] : memref<1000000x64xf32, #tpu.memory_space<hbm>> -> memref<1000000x64xf32, #tpu.memory_space<hbm>>
    %dma_start3A_32 = tpu.memref_slice %arg7[%dma_start3A_21] : memref<2x!tpu.dma_semaphore, #tpu.memory_space<semaphore_mem>> -> memref<1x!tpu.dma_semaphore, #tpu.memory_space<semaphore_mem>>
    %dma_start3A_33 = tpu.memref_squeeze %dma_start3A_32 : memref<1x!tpu.dma_semaphore, #tpu.memory_space<semaphore_mem>> -> memref<!tpu.dma_semaphore, #tpu.memory_space<semaphore_mem>>
    tpu.enqueue_indirect_dma source(%dma_start3A_31 : memref<1000000x64xf32, #tpu.memory_space<hbm>>) target(%dma_start3A_25 : memref<72x64xf32, #tpu.memory_space<vmem>>) offsets(%dma_start3A_28 : memref<72xi32, #tpu.memory_space<vmem>>) semaphore(%dma_start3A_33 : memref<!tpu.dma_semaphore, #tpu.memory_space<semaphore_mem>>)
    %dma_start3A_34 = arith.constant 0 : i32
    %dma_start3A_35 = arith.constant 0 : i32
    %dma_start3A_36 = arith.constant 1 : i32
    %dma_start3A_37 = arith.constant 0 : i32
    %dma_start3A_38 = arith.constant 0 : i32
    %dma_start3A_39 = arith.constant 0 : i32
    %dma_start3A_40 = tpu.memref_slice %arg6[%dma_start3A_35, %dma_start3A_36, %dma_start3A_38, %dma_start3A_39] : memref<2x2x200x64xf32, #tpu.memory_space<vmem>> -> memref<1x1x128x64xf32, #tpu.memory_space<vmem>>
    %dma_start3A_41 = tpu.memref_squeeze %dma_start3A_40 : memref<1x1x128x64xf32, #tpu.memory_space<vmem>> -> memref<128x64xf32, #tpu.memory_space<vmem>>
    %dma_start3A_42 = arith.constant 200 : i32
    %dma_start3A_43 = tpu.memref_slice %arg5[%dma_start3A_34, %dma_start3A_42] : memref<32x400xi32, #tpu.memory_space<vmem>> -> memref<1x128xi32, #tpu.memory_space<vmem>>
    %dma_start3A_44 = tpu.memref_squeeze %dma_start3A_43 : memref<1x128xi32, #tpu.memory_space<vmem>> -> memref<128xi32, #tpu.memory_space<vmem>>
    %dma_start3A_45 = arith.constant 0 : i32
    %dma_start3A_46 = arith.constant 0 : i32
    %dma_start3A_47 = tpu.memref_slice %arg3[%dma_start3A_45, %dma_start3A_46] : memref<1000000x64xf32, #tpu.memory_space<hbm>> -> memref<1000000x64xf32, #tpu.memory_space<hbm>>
    %dma_start3A_48 = tpu.memref_slice %arg7[%dma_start3A_37] : memref<2x!tpu.dma_semaphore, #tpu.memory_space<semaphore_mem>> -> memref<1x!tpu.dma_semaphore, #tpu.memory_space<semaphore_mem>>
    %dma_start3A_49 = tpu.memref_squeeze %dma_start3A_48 : memref<1x!tpu.dma_semaphore, #tpu.memory_space<semaphore_mem>> -> memref<!tpu.dma_semaphore, #tpu.memory_space<semaphore_mem>>
    tpu.enqueue_indirect_dma source(%dma_start3A_47 : memref<1000000x64xf32, #tpu.memory_space<hbm>>) target(%dma_start3A_41 : memref<128x64xf32, #tpu.memory_space<vmem>>) offsets(%dma_start3A_44 : memref<128xi32, #tpu.memory_space<vmem>>) semaphore(%dma_start3A_49 : memref<!tpu.dma_semaphore, #tpu.memory_space<semaphore_mem>>)
    %dma_start3A_50 = arith.constant 0 : i32
    %dma_start3A_51 = arith.constant 0 : i32
    %dma_start3A_52 = arith.constant 1 : i32
    %dma_start3A_53 = arith.constant 0 : i32
    %dma_start3A_54 = arith.constant 128 : i32
    %dma_start3A_55 = arith.constant 0 : i32
    %dma_start3A_56 = tpu.memref_slice %arg6[%dma_start3A_51, %dma_start3A_52, %dma_start3A_54, %dma_start3A_55] : memref<2x2x200x64xf32, #tpu.memory_space<vmem>> -> memref<1x1x72x64xf32, #tpu.memory_space<vmem>>
    %dma_start3A_57 = tpu.memref_squeeze %dma_start3A_56 : memref<1x1x72x64xf32, #tpu.memory_space<vmem>> -> memref<72x64xf32, #tpu.memory_space<vmem>>
    %dma_start3A_58 = arith.constant 328 : i32
    %dma_start3A_59 = tpu.memref_slice %arg5[%dma_start3A_50, %dma_start3A_58] : memref<32x400xi32, #tpu.memory_space<vmem>> -> memref<1x72xi32, #tpu.memory_space<vmem>>
    %dma_start3A_60 = tpu.memref_squeeze %dma_start3A_59 : memref<1x72xi32, #tpu.memory_space<vmem>> -> memref<72xi32, #tpu.memory_space<vmem>>
    %dma_start3A_61 = arith.constant 0 : i32
    %dma_start3A_62 = arith.constant 0 : i32
    %dma_start3A_63 = tpu.memref_slice %arg3[%dma_start3A_61, %dma_start3A_62] : memref<1000000x64xf32, #tpu.memory_space<hbm>> -> memref<1000000x64xf32, #tpu.memory_space<hbm>>
    %dma_start3A_64 = tpu.memref_slice %arg7[%dma_start3A_53] : memref<2x!tpu.dma_semaphore, #tpu.memory_space<semaphore_mem>> -> memref<1x!tpu.dma_semaphore, #tpu.memory_space<semaphore_mem>>
    %dma_start3A_65 = tpu.memref_squeeze %dma_start3A_64 : memref<1x!tpu.dma_semaphore, #tpu.memory_space<semaphore_mem>> -> memref<!tpu.dma_semaphore, #tpu.memory_space<semaphore_mem>>
    tpu.enqueue_indirect_dma source(%dma_start3A_63 : memref<1000000x64xf32, #tpu.memory_space<hbm>>) target(%dma_start3A_57 : memref<72x64xf32, #tpu.memory_space<vmem>>) offsets(%dma_start3A_60 : memref<72xi32, #tpu.memory_space<vmem>>) semaphore(%dma_start3A_65 : memref<!tpu.dma_semaphore, #tpu.memory_space<semaphore_mem>>)
    %scan3A = arith.constant 0 : i32
    %scan3A_66 = arith.constant 0 : i32
    %scan3A_67 = arith.constant 16 : i32
    %scan3A_68 = arith.addi %scan3A_66, %scan3A_67 : i32
    %scan3A_69 = arith.constant 1 : i32
    scf.for %scan3A_114 = %scan3A_66 to %scan3A_68 step %scan3A_69  : i32 {
      %mul3A_115 = arith.constant 2 : i32
      %mul3A_116 = arith.muli %scan3A_114, %mul3A_115 : i32
      %add3A_117 = arith.constant 0 : i32
      %add3A_118 = arith.addi %mul3A_116, %add3A_117 : i32
      %add3A_119 = arith.constant 1 : i32
      %add3A_120 = arith.addi %add3A_118, %add3A_119 : i32
      %lt3A = arith.constant 32 : i32
      %lt3A_121 = arith.cmpi slt, %add3A_120, %lt3A : i32
      %convert_element_type3A = arith.extui %lt3A_121 : i1 to i32
      %cond3A = arith.constant 0 : i32
      %cond3A_122 = arith.cmpi ne, %convert_element_type3A, %cond3A : i32
      scf.if %cond3A_122 {
        %add3A_144 = arith.constant 1 : i32
        %add3A_145 = arith.addi %add3A_118, %add3A_144 : i32
        %ge3A = arith.constant 2 : i32
        %ge3A_146 = arith.cmpi sge, %add3A_145, %ge3A : i32
        %convert_element_type3A_147 = arith.extui %ge3A_146 : i1 to i32
        %cond3A_148 = arith.constant 0 : i32
        %cond3A_149 = arith.cmpi ne, %convert_element_type3A_147, %cond3A_148 : i32
        scf.if %cond3A_149 {
          %dma_wait3A_212 = arith.constant 1 : i32
          %dma_wait3A_213 = arith.constant 1 : i32
          %dma_wait3A_214 = arith.constant 0 : i32
          %dma_wait3A_215 = arith.constant 0 : i32
          %dma_wait3A_216 = arith.constant 0 : i32
          %dma_wait3A_217 = tpu.memref_slice %arg6[%dma_wait3A_212, %dma_wait3A_214, %dma_wait3A_215, %dma_wait3A_216] : memref<2x2x200x64xf32, #tpu.memory_space<vmem>> -> memref<1x2x200x64xf32, #tpu.memory_space<vmem>>
          %dma_wait3A_218 = tpu.memref_squeeze %dma_wait3A_217 : memref<1x2x200x64xf32, #tpu.memory_space<vmem>> -> memref<2x200x64xf32, #tpu.memory_space<vmem>>
          %dma_wait3A_219 = arith.constant 0 : i32
          %dma_wait3A_220 = arith.constant 0 : i32
          %dma_wait3A_221 = arith.constant 0 : i32
          %dma_wait3A_222 = tpu.memref_slice %arg4[%dma_wait3A_219, %dma_wait3A_220, %dma_wait3A_221] : memref<2048x200x64xf32, #tpu.memory_space<hbm>> -> memref<2x200x64xf32, #tpu.memory_space<hbm>>
          %dma_wait3A_223 = tpu.memref_slice %arg8[%dma_wait3A_213] : memref<2x!tpu.dma_semaphore, #tpu.memory_space<semaphore_mem>> -> memref<1x!tpu.dma_semaphore, #tpu.memory_space<semaphore_mem>>
          %dma_wait3A_224 = tpu.memref_squeeze %dma_wait3A_223 : memref<1x!tpu.dma_semaphore, #tpu.memory_space<semaphore_mem>> -> memref<!tpu.dma_semaphore, #tpu.memory_space<semaphore_mem>>
          %dma_wait3A_225 = arith.constant 0 : i32
          %dma_wait3A_226 = arith.constant 0 : i32
          %dma_wait3A_227 = arith.constant 0 : i32
          %dma_wait3A_228 = tpu.memref_slice %arg4[%dma_wait3A_225, %dma_wait3A_226, %dma_wait3A_227] : memref<2048x200x64xf32, #tpu.memory_space<hbm>> -> memref<2x200x64xf32, #tpu.memory_space<hbm>>
          %dma_wait3A_229 = arith.constant 0 : i32
          %dma_wait3A_230 = arith.constant 0 : i32
          %dma_wait3A_231 = arith.constant 0 : i32
          %dma_wait3A_232 = tpu.memref_slice %arg6[%dma_wait3A_212, %dma_wait3A_229, %dma_wait3A_230, %dma_wait3A_231] : memref<2x2x200x64xf32, #tpu.memory_space<vmem>> -> memref<1x2x200x64xf32, #tpu.memory_space<vmem>>
          %dma_wait3A_233 = tpu.memref_squeeze %dma_wait3A_232 : memref<1x2x200x64xf32, #tpu.memory_space<vmem>> -> memref<2x200x64xf32, #tpu.memory_space<vmem>>
          tpu.wait_dma2 semaphore(%dma_wait3A_224 : memref<!tpu.dma_semaphore, #tpu.memory_space<semaphore_mem>>) src(%dma_wait3A_233 : memref<2x200x64xf32, #tpu.memory_space<vmem>>) dst(%dma_wait3A_228 : memref<2x200x64xf32, #tpu.memory_space<hbm>>)
        } else {
        }
        %add3A_150 = arith.constant 1 : i32
        %add3A_151 = arith.addi %add3A_118, %add3A_150 : i32
        %dma_start3A_152 = arith.constant 1 : i32
        %dma_start3A_153 = arith.constant 0 : i32
        %dma_start3A_154 = arith.constant 1 : i32
        %dma_start3A_155 = arith.constant 0 : i32
        %dma_start3A_156 = arith.constant 0 : i32
        %dma_start3A_157 = tpu.memref_slice %arg6[%dma_start3A_152, %dma_start3A_153, %dma_start3A_155, %dma_start3A_156] : memref<2x2x200x64xf32, #tpu.memory_space<vmem>> -> memref<1x1x128x64xf32, #tpu.memory_space<vmem>>
        %dma_start3A_158 = tpu.memref_squeeze %dma_start3A_157 : memref<1x1x128x64xf32, #tpu.memory_space<vmem>> -> memref<128x64xf32, #tpu.memory_space<vmem>>
        %dma_start3A_159 = arith.constant 0 : i32
        %dma_start3A_160 = tpu.memref_slice %arg5[%add3A_151, %dma_start3A_159] : memref<32x400xi32, #tpu.memory_space<vmem>> -> memref<1x128xi32, #tpu.memory_space<vmem>>
        %dma_start3A_161 = tpu.memref_squeeze %dma_start3A_160 : memref<1x128xi32, #tpu.memory_space<vmem>> -> memref<128xi32, #tpu.memory_space<vmem>>
        %dma_start3A_162 = arith.constant 0 : i32
        %dma_start3A_163 = arith.constant 0 : i32
        %dma_start3A_164 = tpu.memref_slice %arg3[%dma_start3A_162, %dma_start3A_163] : memref<1000000x64xf32, #tpu.memory_space<hbm>> -> memref<1000000x64xf32, #tpu.memory_space<hbm>>
        %dma_start3A_165 = tpu.memref_slice %arg7[%dma_start3A_154] : memref<2x!tpu.dma_semaphore, #tpu.memory_space<semaphore_mem>> -> memref<1x!tpu.dma_semaphore, #tpu.memory_space<semaphore_mem>>
        %dma_start3A_166 = tpu.memref_squeeze %dma_start3A_165 : memref<1x!tpu.dma_semaphore, #tpu.memory_space<semaphore_mem>> -> memref<!tpu.dma_semaphore, #tpu.memory_space<semaphore_mem>>
        tpu.enqueue_indirect_dma source(%dma_start3A_164 : memref<1000000x64xf32, #tpu.memory_space<hbm>>) target(%dma_start3A_158 : memref<128x64xf32, #tpu.memory_space<vmem>>) offsets(%dma_start3A_161 : memref<128xi32, #tpu.memory_space<vmem>>) semaphore(%dma_start3A_166 : memref<!tpu.dma_semaphore, #tpu.memory_space<semaphore_mem>>)
        %dma_start3A_167 = arith.constant 1 : i32
        %dma_start3A_168 = arith.constant 0 : i32
        %dma_start3A_169 = arith.constant 1 : i32
        %dma_start3A_170 = arith.constant 128 : i32
        %dma_start3A_171 = arith.constant 0 : i32
        %dma_start3A_172 = tpu.memref_slice %arg6[%dma_start3A_167, %dma_start3A_168, %dma_start3A_170, %dma_start3A_171] : memref<2x2x200x64xf32, #tpu.memory_space<vmem>> -> memref<1x1x72x64xf32, #tpu.memory_space<vmem>>
        %dma_start3A_173 = tpu.memref_squeeze %dma_start3A_172 : memref<1x1x72x64xf32, #tpu.memory_space<vmem>> -> memref<72x64xf32, #tpu.memory_space<vmem>>
        %dma_start3A_174 = arith.constant 128 : i32
        %dma_start3A_175 = tpu.memref_slice %arg5[%add3A_151, %dma_start3A_174] : memref<32x400xi32, #tpu.memory_space<vmem>> -> memref<1x72xi32, #tpu.memory_space<vmem>>
        %dma_start3A_176 = tpu.memref_squeeze %dma_start3A_175 : memref<1x72xi32, #tpu.memory_space<vmem>> -> memref<72xi32, #tpu.memory_space<vmem>>
        %dma_start3A_177 = arith.constant 0 : i32
        %dma_start3A_178 = arith.constant 0 : i32
        %dma_start3A_179 = tpu.memref_slice %arg3[%dma_start3A_177, %dma_start3A_178] : memref<1000000x64xf32, #tpu.memory_space<hbm>> -> memref<1000000x64xf32, #tpu.memory_space<hbm>>
        %dma_start3A_180 = tpu.memref_slice %arg7[%dma_start3A_169] : memref<2x!tpu.dma_semaphore, #tpu.memory_space<semaphore_mem>> -> memref<1x!tpu.dma_semaphore, #tpu.memory_space<semaphore_mem>>
        %dma_start3A_181 = tpu.memref_squeeze %dma_start3A_180 : memref<1x!tpu.dma_semaphore, #tpu.memory_space<semaphore_mem>> -> memref<!tpu.dma_semaphore, #tpu.memory_space<semaphore_mem>>
        tpu.enqueue_indirect_dma source(%dma_start3A_179 : memref<1000000x64xf32, #tpu.memory_space<hbm>>) target(%dma_start3A_173 : memref<72x64xf32, #tpu.memory_space<vmem>>) offsets(%dma_start3A_176 : memref<72xi32, #tpu.memory_space<vmem>>) semaphore(%dma_start3A_181 : memref<!tpu.dma_semaphore, #tpu.memory_space<semaphore_mem>>)
        %dma_start3A_182 = arith.constant 1 : i32
        %dma_start3A_183 = arith.constant 1 : i32
        %dma_start3A_184 = arith.constant 1 : i32
        %dma_start3A_185 = arith.constant 0 : i32
        %dma_start3A_186 = arith.constant 0 : i32
        %dma_start3A_187 = tpu.memref_slice %arg6[%dma_start3A_182, %dma_start3A_183, %dma_start3A_185, %dma_start3A_186] : memref<2x2x200x64xf32, #tpu.memory_space<vmem>> -> memref<1x1x128x64xf32, #tpu.memory_space<vmem>>
        %dma_start3A_188 = tpu.memref_squeeze %dma_start3A_187 : memref<1x1x128x64xf32, #tpu.memory_space<vmem>> -> memref<128x64xf32, #tpu.memory_space<vmem>>
        %dma_start3A_189 = arith.constant 200 : i32
        %dma_start3A_190 = tpu.memref_slice %arg5[%add3A_151, %dma_start3A_189] : memref<32x400xi32, #tpu.memory_space<vmem>> -> memref<1x128xi32, #tpu.memory_space<vmem>>
        %dma_start3A_191 = tpu.memref_squeeze %dma_start3A_190 : memref<1x128xi32, #tpu.memory_space<vmem>> -> memref<128xi32, #tpu.memory_space<vmem>>
        %dma_start3A_192 = arith.constant 0 : i32
        %dma_start3A_193 = arith.constant 0 : i32
        %dma_start3A_194 = tpu.memref_slice %arg3[%dma_start3A_192, %dma_start3A_193] : memref<1000000x64xf32, #tpu.memory_space<hbm>> -> memref<1000000x64xf32, #tpu.memory_space<hbm>>
        %dma_start3A_195 = tpu.memref_slice %arg7[%dma_start3A_184] : memref<2x!tpu.dma_semaphore, #tpu.memory_space<semaphore_mem>> -> memref<1x!tpu.dma_semaphore, #tpu.memory_space<semaphore_mem>>
        %dma_start3A_196 = tpu.memref_squeeze %dma_start3A_195 : memref<1x!tpu.dma_semaphore, #tpu.memory_space<semaphore_mem>> -> memref<!tpu.dma_semaphore, #tpu.memory_space<semaphore_mem>>
        tpu.enqueue_indirect_dma source(%dma_start3A_194 : memref<1000000x64xf32, #tpu.memory_space<hbm>>) target(%dma_start3A_188 : memref<128x64xf32, #tpu.memory_space<vmem>>) offsets(%dma_start3A_191 : memref<128xi32, #tpu.memory_space<vmem>>) semaphore(%dma_start3A_196 : memref<!tpu.dma_semaphore, #tpu.memory_space<semaphore_mem>>)
        %dma_start3A_197 = arith.constant 1 : i32
        %dma_start3A_198 = arith.constant 1 : i32
        %dma_start3A_199 = arith.constant 1 : i32
        %dma_start3A_200 = arith.constant 128 : i32
        %dma_start3A_201 = arith.constant 0 : i32
        %dma_start3A_202 = tpu.memref_slice %arg6[%dma_start3A_197, %dma_start3A_198, %dma_start3A_200, %dma_start3A_201] : memref<2x2x200x64xf32, #tpu.memory_space<vmem>> -> memref<1x1x72x64xf32, #tpu.memory_space<vmem>>
        %dma_start3A_203 = tpu.memref_squeeze %dma_start3A_202 : memref<1x1x72x64xf32, #tpu.memory_space<vmem>> -> memref<72x64xf32, #tpu.memory_space<vmem>>
        %dma_start3A_204 = arith.constant 328 : i32
        %dma_start3A_205 = tpu.memref_slice %arg5[%add3A_151, %dma_start3A_204] : memref<32x400xi32, #tpu.memory_space<vmem>> -> memref<1x72xi32, #tpu.memory_space<vmem>>
        %dma_start3A_206 = tpu.memref_squeeze %dma_start3A_205 : memref<1x72xi32, #tpu.memory_space<vmem>> -> memref<72xi32, #tpu.memory_space<vmem>>
        %dma_start3A_207 = arith.constant 0 : i32
        %dma_start3A_208 = arith.constant 0 : i32
        %dma_start3A_209 = tpu.memref_slice %arg3[%dma_start3A_207, %dma_start3A_208] : memref<1000000x64xf32, #tpu.memory_space<hbm>> -> memref<1000000x64xf32, #tpu.memory_space<hbm>>
        %dma_start3A_210 = tpu.memref_slice %arg7[%dma_start3A_199] : memref<2x!tpu.dma_semaphore, #tpu.memory_space<semaphore_mem>> -> memref<1x!tpu.dma_semaphore, #tpu.memory_space<semaphore_mem>>
        %dma_start3A_211 = tpu.memref_squeeze %dma_start3A_210 : memref<1x!tpu.dma_semaphore, #tpu.memory_space<semaphore_mem>> -> memref<!tpu.dma_semaphore, #tpu.memory_space<semaphore_mem>>
        tpu.enqueue_indirect_dma source(%dma_start3A_209 : memref<1000000x64xf32, #tpu.memory_space<hbm>>) target(%dma_start3A_203 : memref<72x64xf32, #tpu.memory_space<vmem>>) offsets(%dma_start3A_206 : memref<72xi32, #tpu.memory_space<vmem>>) semaphore(%dma_start3A_211 : memref<!tpu.dma_semaphore, #tpu.memory_space<semaphore_mem>>)
      } else {
      }
      %lt3A_123 = arith.constant 32 : i32
      %lt3A_124 = arith.cmpi slt, %add3A_118, %lt3A_123 : i32
      %convert_element_type3A_125 = arith.extui %lt3A_124 : i1 to i32
      %cond3A_126 = arith.constant 0 : i32
      %cond3A_127 = arith.cmpi ne, %convert_element_type3A_125, %cond3A_126 : i32
      scf.if %cond3A_127 {
        %dma_wait3A_144 = arith.constant 0 : i32
        %dma_wait3A_145 = arith.constant 0 : i32
        %dma_wait3A_146 = arith.constant 0 : i32
        %dma_wait3A_147 = arith.constant 0 : i32
        %dma_wait3A_148 = arith.constant 0 : i32
        %dma_wait3A_149 = tpu.memref_slice %arg6[%dma_wait3A_144, %dma_wait3A_145, %dma_wait3A_147, %dma_wait3A_148] : memref<2x2x200x64xf32, #tpu.memory_space<vmem>> -> memref<1x1x128x64xf32, #tpu.memory_space<vmem>>
        %dma_wait3A_150 = tpu.memref_squeeze %dma_wait3A_149 : memref<1x1x128x64xf32, #tpu.memory_space<vmem>> -> memref<128x64xf32, #tpu.memory_space<vmem>>
        %dma_wait3A_151 = arith.constant 0 : i32
        %dma_wait3A_152 = arith.constant 0 : i32
        %dma_wait3A_153 = tpu.memref_slice %arg3[%dma_wait3A_151, %dma_wait3A_152] : memref<1000000x64xf32, #tpu.memory_space<hbm>> -> memref<128x64xf32, #tpu.memory_space<hbm>>
        %dma_wait3A_154 = tpu.memref_slice %arg7[%dma_wait3A_146] : memref<2x!tpu.dma_semaphore, #tpu.memory_space<semaphore_mem>> -> memref<1x!tpu.dma_semaphore, #tpu.memory_space<semaphore_mem>>
        %dma_wait3A_155 = tpu.memref_squeeze %dma_wait3A_154 : memref<1x!tpu.dma_semaphore, #tpu.memory_space<semaphore_mem>> -> memref<!tpu.dma_semaphore, #tpu.memory_space<semaphore_mem>>
        %dma_wait3A_156 = arith.constant 0 : i32
        %dma_wait3A_157 = arith.constant 0 : i32
        %dma_wait3A_158 = tpu.memref_slice %arg6[%dma_wait3A_144, %dma_wait3A_145, %dma_wait3A_156, %dma_wait3A_157] : memref<2x2x200x64xf32, #tpu.memory_space<vmem>> -> memref<1x1x128x64xf32, #tpu.memory_space<vmem>>
        %dma_wait3A_159 = tpu.memref_squeeze %dma_wait3A_158 : memref<1x1x128x64xf32, #tpu.memory_space<vmem>> -> memref<128x64xf32, #tpu.memory_space<vmem>>
        %dma_wait3A_160 = arith.constant 0 : i32
        %dma_wait3A_161 = arith.constant 0 : i32
        %dma_wait3A_162 = tpu.memref_slice %arg3[%dma_wait3A_160, %dma_wait3A_161] : memref<1000000x64xf32, #tpu.memory_space<hbm>> -> memref<128x64xf32, #tpu.memory_space<hbm>>
        tpu.wait_dma2 semaphore(%dma_wait3A_155 : memref<!tpu.dma_semaphore, #tpu.memory_space<semaphore_mem>>) src(%dma_wait3A_162 : memref<128x64xf32, #tpu.memory_space<hbm>>) dst(%dma_wait3A_159 : memref<128x64xf32, #tpu.memory_space<vmem>>)
        %dma_wait3A_163 = arith.constant 0 : i32
        %dma_wait3A_164 = arith.constant 0 : i32
        %dma_wait3A_165 = arith.constant 0 : i32
        %dma_wait3A_166 = arith.constant 128 : i32
        %dma_wait3A_167 = arith.constant 0 : i32
        %dma_wait3A_168 = tpu.memref_slice %arg6[%dma_wait3A_163, %dma_wait3A_164, %dma_wait3A_166, %dma_wait3A_167] : memref<2x2x200x64xf32, #tpu.memory_space<vmem>> -> memref<1x1x72x64xf32, #tpu.memory_space<vmem>>
        %dma_wait3A_169 = tpu.memref_squeeze %dma_wait3A_168 : memref<1x1x72x64xf32, #tpu.memory_space<vmem>> -> memref<72x64xf32, #tpu.memory_space<vmem>>
        %dma_wait3A_170 = arith.constant 0 : i32
        %dma_wait3A_171 = arith.constant 0 : i32
        %dma_wait3A_172 = tpu.memref_slice %arg3[%dma_wait3A_170, %dma_wait3A_171] : memref<1000000x64xf32, #tpu.memory_space<hbm>> -> memref<72x64xf32, #tpu.memory_space<hbm>>
        %dma_wait3A_173 = tpu.memref_slice %arg7[%dma_wait3A_165] : memref<2x!tpu.dma_semaphore, #tpu.memory_space<semaphore_mem>> -> memref<1x!tpu.dma_semaphore, #tpu.memory_space<semaphore_mem>>
        %dma_wait3A_174 = tpu.memref_squeeze %dma_wait3A_173 : memref<1x!tpu.dma_semaphore, #tpu.memory_space<semaphore_mem>> -> memref<!tpu.dma_semaphore, #tpu.memory_space<semaphore_mem>>
        %dma_wait3A_175 = arith.constant 128 : i32
        %dma_wait3A_176 = arith.constant 0 : i32
        %dma_wait3A_177 = tpu.memref_slice %arg6[%dma_wait3A_163, %dma_wait3A_164, %dma_wait3A_175, %dma_wait3A_176] : memref<2x2x200x64xf32, #tpu.memory_space<vmem>> -> memref<1x1x72x64xf32, #tpu.memory_space<vmem>>
        %dma_wait3A_178 = tpu.memref_squeeze %dma_wait3A_177 : memref<1x1x72x64xf32, #tpu.memory_space<vmem>> -> memref<72x64xf32, #tpu.memory_space<vmem>>
        %dma_wait3A_179 = arith.constant 0 : i32
        %dma_wait3A_180 = arith.constant 0 : i32
        %dma_wait3A_181 = tpu.memref_slice %arg3[%dma_wait3A_179, %dma_wait3A_180] : memref<1000000x64xf32, #tpu.memory_space<hbm>> -> memref<72x64xf32, #tpu.memory_space<hbm>>
        tpu.wait_dma2 semaphore(%dma_wait3A_174 : memref<!tpu.dma_semaphore, #tpu.memory_space<semaphore_mem>>) src(%dma_wait3A_181 : memref<72x64xf32, #tpu.memory_space<hbm>>) dst(%dma_wait3A_178 : memref<72x64xf32, #tpu.memory_space<vmem>>)
        %dma_wait3A_182 = arith.constant 0 : i32
        %dma_wait3A_183 = arith.constant 1 : i32
        %dma_wait3A_184 = arith.constant 0 : i32
        %dma_wait3A_185 = arith.constant 0 : i32
        %dma_wait3A_186 = arith.constant 0 : i32
        %dma_wait3A_187 = tpu.memref_slice %arg6[%dma_wait3A_182, %dma_wait3A_183, %dma_wait3A_185, %dma_wait3A_186] : memref<2x2x200x64xf32, #tpu.memory_space<vmem>> -> memref<1x1x128x64xf32, #tpu.memory_space<vmem>>
        %dma_wait3A_188 = tpu.memref_squeeze %dma_wait3A_187 : memref<1x1x128x64xf32, #tpu.memory_space<vmem>> -> memref<128x64xf32, #tpu.memory_space<vmem>>
        %dma_wait3A_189 = arith.constant 0 : i32
        %dma_wait3A_190 = arith.constant 0 : i32
        %dma_wait3A_191 = tpu.memref_slice %arg3[%dma_wait3A_189, %dma_wait3A_190] : memref<1000000x64xf32, #tpu.memory_space<hbm>> -> memref<128x64xf32, #tpu.memory_space<hbm>>
        %dma_wait3A_192 = tpu.memref_slice %arg7[%dma_wait3A_184] : memref<2x!tpu.dma_semaphore, #tpu.memory_space<semaphore_mem>> -> memref<1x!tpu.dma_semaphore, #tpu.memory_space<semaphore_mem>>
        %dma_wait3A_193 = tpu.memref_squeeze %dma_wait3A_192 : memref<1x!tpu.dma_semaphore, #tpu.memory_space<semaphore_mem>> -> memref<!tpu.dma_semaphore, #tpu.memory_space<semaphore_mem>>
        %dma_wait3A_194 = arith.constant 0 : i32
        %dma_wait3A_195 = arith.constant 0 : i32
        %dma_wait3A_196 = tpu.memref_slice %arg6[%dma_wait3A_182, %dma_wait3A_183, %dma_wait3A_194, %dma_wait3A_195] : memref<2x2x200x64xf32, #tpu.memory_space<vmem>> -> memref<1x1x128x64xf32, #tpu.memory_space<vmem>>
        %dma_wait3A_197 = tpu.memref_squeeze %dma_wait3A_196 : memref<1x1x128x64xf32, #tpu.memory_space<vmem>> -> memref<128x64xf32, #tpu.memory_space<vmem>>
        %dma_wait3A_198 = arith.constant 0 : i32
        %dma_wait3A_199 = arith.constant 0 : i32
        %dma_wait3A_200 = tpu.memref_slice %arg3[%dma_wait3A_198, %dma_wait3A_199] : memref<1000000x64xf32, #tpu.memory_space<hbm>> -> memref<128x64xf32, #tpu.memory_space<hbm>>
        tpu.wait_dma2 semaphore(%dma_wait3A_193 : memref<!tpu.dma_semaphore, #tpu.memory_space<semaphore_mem>>) src(%dma_wait3A_200 : memref<128x64xf32, #tpu.memory_space<hbm>>) dst(%dma_wait3A_197 : memref<128x64xf32, #tpu.memory_space<vmem>>)
        %dma_wait3A_201 = arith.constant 0 : i32
        %dma_wait3A_202 = arith.constant 1 : i32
        %dma_wait3A_203 = arith.constant 0 : i32
        %dma_wait3A_204 = arith.constant 128 : i32
        %dma_wait3A_205 = arith.constant 0 : i32
        %dma_wait3A_206 = tpu.memref_slice %arg6[%dma_wait3A_201, %dma_wait3A_202, %dma_wait3A_204, %dma_wait3A_205] : memref<2x2x200x64xf32, #tpu.memory_space<vmem>> -> memref<1x1x72x64xf32, #tpu.memory_space<vmem>>
        %dma_wait3A_207 = tpu.memref_squeeze %dma_wait3A_206 : memref<1x1x72x64xf32, #tpu.memory_space<vmem>> -> memref<72x64xf32, #tpu.memory_space<vmem>>
        %dma_wait3A_208 = arith.constant 0 : i32
        %dma_wait3A_209 = arith.constant 0 : i32
        %dma_wait3A_210 = tpu.memref_slice %arg3[%dma_wait3A_208, %dma_wait3A_209] : memref<1000000x64xf32, #tpu.memory_space<hbm>> -> memref<72x64xf32, #tpu.memory_space<hbm>>
        %dma_wait3A_211 = tpu.memref_slice %arg7[%dma_wait3A_203] : memref<2x!tpu.dma_semaphore, #tpu.memory_space<semaphore_mem>> -> memref<1x!tpu.dma_semaphore, #tpu.memory_space<semaphore_mem>>
        %dma_wait3A_212 = tpu.memref_squeeze %dma_wait3A_211 : memref<1x!tpu.dma_semaphore, #tpu.memory_space<semaphore_mem>> -> memref<!tpu.dma_semaphore, #tpu.memory_space<semaphore_mem>>
        %dma_wait3A_213 = arith.constant 128 : i32
        %dma_wait3A_214 = arith.constant 0 : i32
        %dma_wait3A_215 = tpu.memref_slice %arg6[%dma_wait3A_201, %dma_wait3A_202, %dma_wait3A_213, %dma_wait3A_214] : memref<2x2x200x64xf32, #tpu.memory_space<vmem>> -> memref<1x1x72x64xf32, #tpu.memory_space<vmem>>
        %dma_wait3A_216 = tpu.memref_squeeze %dma_wait3A_215 : memref<1x1x72x64xf32, #tpu.memory_space<vmem>> -> memref<72x64xf32, #tpu.memory_space<vmem>>
        %dma_wait3A_217 = arith.constant 0 : i32
        %dma_wait3A_218 = arith.constant 0 : i32
        %dma_wait3A_219 = tpu.memref_slice %arg3[%dma_wait3A_217, %dma_wait3A_218] : memref<1000000x64xf32, #tpu.memory_space<hbm>> -> memref<72x64xf32, #tpu.memory_space<hbm>>
        tpu.wait_dma2 semaphore(%dma_wait3A_212 : memref<!tpu.dma_semaphore, #tpu.memory_space<semaphore_mem>>) src(%dma_wait3A_219 : memref<72x64xf32, #tpu.memory_space<hbm>>) dst(%dma_wait3A_216 : memref<72x64xf32, #tpu.memory_space<vmem>>)
        %mul3A_220 = arith.constant 2 : i32
        %mul3A_221 = arith.muli %add3A_118, %mul3A_220 : i32
        %add3A_222 = arith.addi %mul3A_2, %mul3A_221 : i32
        %dma_start3A_223 = arith.constant 0 : i32
        %dma_start3A_224 = arith.constant 0 : i32
        %dma_start3A_225 = arith.constant 0 : i32
        %dma_start3A_226 = arith.constant 0 : i32
        %dma_start3A_227 = arith.constant 0 : i32
        %dma_start3A_228 = tpu.memref_slice %arg6[%dma_start3A_223, %dma_start3A_225, %dma_start3A_226, %dma_start3A_227] : memref<2x2x200x64xf32, #tpu.memory_space<vmem>> -> memref<1x2x200x64xf32, #tpu.memory_space<vmem>>
        %dma_start3A_229 = tpu.memref_squeeze %dma_start3A_228 : memref<1x2x200x64xf32, #tpu.memory_space<vmem>> -> memref<2x200x64xf32, #tpu.memory_space<vmem>>
        %dma_start3A_230 = arith.constant 0 : i32
        %dma_start3A_231 = arith.constant 0 : i32
        %dma_start3A_232 = tpu.memref_slice %arg4[%add3A_222, %dma_start3A_230, %dma_start3A_231] : memref<2048x200x64xf32, #tpu.memory_space<hbm>> -> memref<2x200x64xf32, #tpu.memory_space<hbm>>
        %dma_start3A_233 = tpu.memref_slice %arg8[%dma_start3A_224] : memref<2x!tpu.dma_semaphore, #tpu.memory_space<semaphore_mem>> -> memref<1x!tpu.dma_semaphore, #tpu.memory_space<semaphore_mem>>
        %dma_start3A_234 = tpu.memref_squeeze %dma_start3A_233 : memref<1x!tpu.dma_semaphore, #tpu.memory_space<semaphore_mem>> -> memref<!tpu.dma_semaphore, #tpu.memory_space<semaphore_mem>>
        %dma_start3A_235 = arith.constant 0 : i32
        %dma_start3A_236 = arith.constant 0 : i32
        %dma_start3A_237 = tpu.memref_slice %arg4[%add3A_222, %dma_start3A_235, %dma_start3A_236] : memref<2048x200x64xf32, #tpu.memory_space<hbm>> -> memref<2x200x64xf32, #tpu.memory_space<hbm>>
        %dma_start3A_238 = arith.constant 0 : i32
        %dma_start3A_239 = arith.constant 0 : i32
        %dma_start3A_240 = arith.constant 0 : i32
        %dma_start3A_241 = tpu.memref_slice %arg6[%dma_start3A_223, %dma_start3A_238, %dma_start3A_239, %dma_start3A_240] : memref<2x2x200x64xf32, #tpu.memory_space<vmem>> -> memref<1x2x200x64xf32, #tpu.memory_space<vmem>>
        %dma_start3A_242 = tpu.memref_squeeze %dma_start3A_241 : memref<1x2x200x64xf32, #tpu.memory_space<vmem>> -> memref<2x200x64xf32, #tpu.memory_space<vmem>>
        tpu.enqueue_dma source(%dma_start3A_242 : memref<2x200x64xf32, #tpu.memory_space<vmem>>) target(%dma_start3A_237 : memref<2x200x64xf32, #tpu.memory_space<hbm>>) target_semaphore(%dma_start3A_234 : memref<!tpu.dma_semaphore, #tpu.memory_space<semaphore_mem>>)
      } else {
      }
      %mul3A_128 = arith.constant 2 : i32
      %mul3A_129 = arith.muli %scan3A_114, %mul3A_128 : i32
      %add3A_130 = arith.constant 1 : i32
      %add3A_131 = arith.addi %mul3A_129, %add3A_130 : i32
      %add3A_132 = arith.constant 1 : i32
      %add3A_133 = arith.addi %add3A_131, %add3A_132 : i32
      %lt3A_134 = arith.constant 32 : i32
      %lt3A_135 = arith.cmpi slt, %add3A_133, %lt3A_134 : i32
      %convert_element_type3A_136 = arith.extui %lt3A_135 : i1 to i32
      %cond3A_137 = arith.constant 0 : i32
      %cond3A_138 = arith.cmpi ne, %convert_element_type3A_136, %cond3A_137 : i32
      scf.if %cond3A_138 {
        %add3A_144 = arith.constant 1 : i32
        %add3A_145 = arith.addi %add3A_131, %add3A_144 : i32
        %ge3A = arith.constant 2 : i32
        %ge3A_146 = arith.cmpi sge, %add3A_145, %ge3A : i32
        %convert_element_type3A_147 = arith.extui %ge3A_146 : i1 to i32
        %cond3A_148 = arith.constant 0 : i32
        %cond3A_149 = arith.cmpi ne, %convert_element_type3A_147, %cond3A_148 : i32
        scf.if %cond3A_149 {
          %dma_wait3A_212 = arith.constant 0 : i32
          %dma_wait3A_213 = arith.constant 0 : i32
          %dma_wait3A_214 = arith.constant 0 : i32
          %dma_wait3A_215 = arith.constant 0 : i32
          %dma_wait3A_216 = arith.constant 0 : i32
          %dma_wait3A_217 = tpu.memref_slice %arg6[%dma_wait3A_212, %dma_wait3A_214, %dma_wait3A_215, %dma_wait3A_216] : memref<2x2x200x64xf32, #tpu.memory_space<vmem>> -> memref<1x2x200x64xf32, #tpu.memory_space<vmem>>
          %dma_wait3A_218 = tpu.memref_squeeze %dma_wait3A_217 : memref<1x2x200x64xf32, #tpu.memory_space<vmem>> -> memref<2x200x64xf32, #tpu.memory_space<vmem>>
          %dma_wait3A_219 = arith.constant 0 : i32
          %dma_wait3A_220 = arith.constant 0 : i32
          %dma_wait3A_221 = arith.constant 0 : i32
          %dma_wait3A_222 = tpu.memref_slice %arg4[%dma_wait3A_219, %dma_wait3A_220, %dma_wait3A_221] : memref<2048x200x64xf32, #tpu.memory_space<hbm>> -> memref<2x200x64xf32, #tpu.memory_space<hbm>>
          %dma_wait3A_223 = tpu.memref_slice %arg8[%dma_wait3A_213] : memref<2x!tpu.dma_semaphore, #tpu.memory_space<semaphore_mem>> -> memref<1x!tpu.dma_semaphore, #tpu.memory_space<semaphore_mem>>
          %dma_wait3A_224 = tpu.memref_squeeze %dma_wait3A_223 : memref<1x!tpu.dma_semaphore, #tpu.memory_space<semaphore_mem>> -> memref<!tpu.dma_semaphore, #tpu.memory_space<semaphore_mem>>
          %dma_wait3A_225 = arith.constant 0 : i32
          %dma_wait3A_226 = arith.constant 0 : i32
          %dma_wait3A_227 = arith.constant 0 : i32
          %dma_wait3A_228 = tpu.memref_slice %arg4[%dma_wait3A_225, %dma_wait3A_226, %dma_wait3A_227] : memref<2048x200x64xf32, #tpu.memory_space<hbm>> -> memref<2x200x64xf32, #tpu.memory_space<hbm>>
          %dma_wait3A_229 = arith.constant 0 : i32
          %dma_wait3A_230 = arith.constant 0 : i32
          %dma_wait3A_231 = arith.constant 0 : i32
          %dma_wait3A_232 = tpu.memref_slice %arg6[%dma_wait3A_212, %dma_wait3A_229, %dma_wait3A_230, %dma_wait3A_231] : memref<2x2x200x64xf32, #tpu.memory_space<vmem>> -> memref<1x2x200x64xf32, #tpu.memory_space<vmem>>
          %dma_wait3A_233 = tpu.memref_squeeze %dma_wait3A_232 : memref<1x2x200x64xf32, #tpu.memory_space<vmem>> -> memref<2x200x64xf32, #tpu.memory_space<vmem>>
          tpu.wait_dma2 semaphore(%dma_wait3A_224 : memref<!tpu.dma_semaphore, #tpu.memory_space<semaphore_mem>>) src(%dma_wait3A_233 : memref<2x200x64xf32, #tpu.memory_space<vmem>>) dst(%dma_wait3A_228 : memref<2x200x64xf32, #tpu.memory_space<hbm>>)
        } else {
        }
        %add3A_150 = arith.constant 1 : i32
        %add3A_151 = arith.addi %add3A_131, %add3A_150 : i32
        %dma_start3A_152 = arith.constant 0 : i32
        %dma_start3A_153 = arith.constant 0 : i32
        %dma_start3A_154 = arith.constant 0 : i32
        %dma_start3A_155 = arith.constant 0 : i32
        %dma_start3A_156 = arith.constant 0 : i32
        %dma_start3A_157 = tpu.memref_slice %arg6[%dma_start3A_152, %dma_start3A_153, %dma_start3A_155, %dma_start3A_156] : memref<2x2x200x64xf32, #tpu.memory_space<vmem>> -> memref<1x1x128x64xf32, #tpu.memory_space<vmem>>
        %dma_start3A_158 = tpu.memref_squeeze %dma_start3A_157 : memref<1x1x128x64xf32, #tpu.memory_space<vmem>> -> memref<128x64xf32, #tpu.memory_space<vmem>>
        %dma_start3A_159 = arith.constant 0 : i32
        %dma_start3A_160 = tpu.memref_slice %arg5[%add3A_151, %dma_start3A_159] : memref<32x400xi32, #tpu.memory_space<vmem>> -> memref<1x128xi32, #tpu.memory_space<vmem>>
        %dma_start3A_161 = tpu.memref_squeeze %dma_start3A_160 : memref<1x128xi32, #tpu.memory_space<vmem>> -> memref<128xi32, #tpu.memory_space<vmem>>
        %dma_start3A_162 = arith.constant 0 : i32
        %dma_start3A_163 = arith.constant 0 : i32
        %dma_start3A_164 = tpu.memref_slice %arg3[%dma_start3A_162, %dma_start3A_163] : memref<1000000x64xf32, #tpu.memory_space<hbm>> -> memref<1000000x64xf32, #tpu.memory_space<hbm>>
        %dma_start3A_165 = tpu.memref_slice %arg7[%dma_start3A_154] : memref<2x!tpu.dma_semaphore, #tpu.memory_space<semaphore_mem>> -> memref<1x!tpu.dma_semaphore, #tpu.memory_space<semaphore_mem>>
        %dma_start3A_166 = tpu.memref_squeeze %dma_start3A_165 : memref<1x!tpu.dma_semaphore, #tpu.memory_space<semaphore_mem>> -> memref<!tpu.dma_semaphore, #tpu.memory_space<semaphore_mem>>
        tpu.enqueue_indirect_dma source(%dma_start3A_164 : memref<1000000x64xf32, #tpu.memory_space<hbm>>) target(%dma_start3A_158 : memref<128x64xf32, #tpu.memory_space<vmem>>) offsets(%dma_start3A_161 : memref<128xi32, #tpu.memory_space<vmem>>) semaphore(%dma_start3A_166 : memref<!tpu.dma_semaphore, #tpu.memory_space<semaphore_mem>>)
        %dma_start3A_167 = arith.constant 0 : i32
        %dma_start3A_168 = arith.constant 0 : i32
        %dma_start3A_169 = arith.constant 0 : i32
        %dma_start3A_170 = arith.constant 128 : i32
        %dma_start3A_171 = arith.constant 0 : i32
        %dma_start3A_172 = tpu.memref_slice %arg6[%dma_start3A_167, %dma_start3A_168, %dma_start3A_170, %dma_start3A_171] : memref<2x2x200x64xf32, #tpu.memory_space<vmem>> -> memref<1x1x72x64xf32, #tpu.memory_space<vmem>>
        %dma_start3A_173 = tpu.memref_squeeze %dma_start3A_172 : memref<1x1x72x64xf32, #tpu.memory_space<vmem>> -> memref<72x64xf32, #tpu.memory_space<vmem>>
        %dma_start3A_174 = arith.constant 128 : i32
        %dma_start3A_175 = tpu.memref_slice %arg5[%add3A_151, %dma_start3A_174] : memref<32x400xi32, #tpu.memory_space<vmem>> -> memref<1x72xi32, #tpu.memory_space<vmem>>
        %dma_start3A_176 = tpu.memref_squeeze %dma_start3A_175 : memref<1x72xi32, #tpu.memory_space<vmem>> -> memref<72xi32, #tpu.memory_space<vmem>>
        %dma_start3A_177 = arith.constant 0 : i32
        %dma_start3A_178 = arith.constant 0 : i32
        %dma_start3A_179 = tpu.memref_slice %arg3[%dma_start3A_177, %dma_start3A_178] : memref<1000000x64xf32, #tpu.memory_space<hbm>> -> memref<1000000x64xf32, #tpu.memory_space<hbm>>
        %dma_start3A_180 = tpu.memref_slice %arg7[%dma_start3A_169] : memref<2x!tpu.dma_semaphore, #tpu.memory_space<semaphore_mem>> -> memref<1x!tpu.dma_semaphore, #tpu.memory_space<semaphore_mem>>
        %dma_start3A_181 = tpu.memref_squeeze %dma_start3A_180 : memref<1x!tpu.dma_semaphore, #tpu.memory_space<semaphore_mem>> -> memref<!tpu.dma_semaphore, #tpu.memory_space<semaphore_mem>>
        tpu.enqueue_indirect_dma source(%dma_start3A_179 : memref<1000000x64xf32, #tpu.memory_space<hbm>>) target(%dma_start3A_173 : memref<72x64xf32, #tpu.memory_space<vmem>>) offsets(%dma_start3A_176 : memref<72xi32, #tpu.memory_space<vmem>>) semaphore(%dma_start3A_181 : memref<!tpu.dma_semaphore, #tpu.memory_space<semaphore_mem>>)
        %dma_start3A_182 = arith.constant 0 : i32
        %dma_start3A_183 = arith.constant 1 : i32
        %dma_start3A_184 = arith.constant 0 : i32
        %dma_start3A_185 = arith.constant 0 : i32
        %dma_start3A_186 = arith.constant 0 : i32
        %dma_start3A_187 = tpu.memref_slice %arg6[%dma_start3A_182, %dma_start3A_183, %dma_start3A_185, %dma_start3A_186] : memref<2x2x200x64xf32, #tpu.memory_space<vmem>> -> memref<1x1x128x64xf32, #tpu.memory_space<vmem>>
        %dma_start3A_188 = tpu.memref_squeeze %dma_start3A_187 : memref<1x1x128x64xf32, #tpu.memory_space<vmem>> -> memref<128x64xf32, #tpu.memory_space<vmem>>
        %dma_start3A_189 = arith.constant 200 : i32
        %dma_start3A_190 = tpu.memref_slice %arg5[%add3A_151, %dma_start3A_189] : memref<32x400xi32, #tpu.memory_space<vmem>> -> memref<1x128xi32, #tpu.memory_space<vmem>>
        %dma_start3A_191 = tpu.memref_squeeze %dma_start3A_190 : memref<1x128xi32, #tpu.memory_space<vmem>> -> memref<128xi32, #tpu.memory_space<vmem>>
        %dma_start3A_192 = arith.constant 0 : i32
        %dma_start3A_193 = arith.constant 0 : i32
        %dma_start3A_194 = tpu.memref_slice %arg3[%dma_start3A_192, %dma_start3A_193] : memref<1000000x64xf32, #tpu.memory_space<hbm>> -> memref<1000000x64xf32, #tpu.memory_space<hbm>>
        %dma_start3A_195 = tpu.memref_slice %arg7[%dma_start3A_184] : memref<2x!tpu.dma_semaphore, #tpu.memory_space<semaphore_mem>> -> memref<1x!tpu.dma_semaphore, #tpu.memory_space<semaphore_mem>>
        %dma_start3A_196 = tpu.memref_squeeze %dma_start3A_195 : memref<1x!tpu.dma_semaphore, #tpu.memory_space<semaphore_mem>> -> memref<!tpu.dma_semaphore, #tpu.memory_space<semaphore_mem>>
        tpu.enqueue_indirect_dma source(%dma_start3A_194 : memref<1000000x64xf32, #tpu.memory_space<hbm>>) target(%dma_start3A_188 : memref<128x64xf32, #tpu.memory_space<vmem>>) offsets(%dma_start3A_191 : memref<128xi32, #tpu.memory_space<vmem>>) semaphore(%dma_start3A_196 : memref<!tpu.dma_semaphore, #tpu.memory_space<semaphore_mem>>)
        %dma_start3A_197 = arith.constant 0 : i32
        %dma_start3A_198 = arith.constant 1 : i32
        %dma_start3A_199 = arith.constant 0 : i32
        %dma_start3A_200 = arith.constant 128 : i32
        %dma_start3A_201 = arith.constant 0 : i32
        %dma_start3A_202 = tpu.memref_slice %arg6[%dma_start3A_197, %dma_start3A_198, %dma_start3A_200, %dma_start3A_201] : memref<2x2x200x64xf32, #tpu.memory_space<vmem>> -> memref<1x1x72x64xf32, #tpu.memory_space<vmem>>
        %dma_start3A_203 = tpu.memref_squeeze %dma_start3A_202 : memref<1x1x72x64xf32, #tpu.memory_space<vmem>> -> memref<72x64xf32, #tpu.memory_space<vmem>>
        %dma_start3A_204 = arith.constant 328 : i32
        %dma_start3A_205 = tpu.memref_slice %arg5[%add3A_151, %dma_start3A_204] : memref<32x400xi32, #tpu.memory_space<vmem>> -> memref<1x72xi32, #tpu.memory_space<vmem>>
        %dma_start3A_206 = tpu.memref_squeeze %dma_start3A_205 : memref<1x72xi32, #tpu.memory_space<vmem>> -> memref<72xi32, #tpu.memory_space<vmem>>
        %dma_start3A_207 = arith.constant 0 : i32
        %dma_start3A_208 = arith.constant 0 : i32
        %dma_start3A_209 = tpu.memref_slice %arg3[%dma_start3A_207, %dma_start3A_208] : memref<1000000x64xf32, #tpu.memory_space<hbm>> -> memref<1000000x64xf32, #tpu.memory_space<hbm>>
        %dma_start3A_210 = tpu.memref_slice %arg7[%dma_start3A_199] : memref<2x!tpu.dma_semaphore, #tpu.memory_space<semaphore_mem>> -> memref<1x!tpu.dma_semaphore, #tpu.memory_space<semaphore_mem>>
        %dma_start3A_211 = tpu.memref_squeeze %dma_start3A_210 : memref<1x!tpu.dma_semaphore, #tpu.memory_space<semaphore_mem>> -> memref<!tpu.dma_semaphore, #tpu.memory_space<semaphore_mem>>
        tpu.enqueue_indirect_dma source(%dma_start3A_209 : memref<1000000x64xf32, #tpu.memory_space<hbm>>) target(%dma_start3A_203 : memref<72x64xf32, #tpu.memory_space<vmem>>) offsets(%dma_start3A_206 : memref<72xi32, #tpu.memory_space<vmem>>) semaphore(%dma_start3A_211 : memref<!tpu.dma_semaphore, #tpu.memory_space<semaphore_mem>>)
      } else {
      }
      %lt3A_139 = arith.constant 32 : i32
      %lt3A_140 = arith.cmpi slt, %add3A_131, %lt3A_139 : i32
      %convert_element_type3A_141 = arith.extui %lt3A_140 : i1 to i32
      %cond3A_142 = arith.constant 0 : i32
      %cond3A_143 = arith.cmpi ne, %convert_element_type3A_141, %cond3A_142 : i32
      scf.if %cond3A_143 {
        %dma_wait3A_144 = arith.constant 1 : i32
        %dma_wait3A_145 = arith.constant 0 : i32
        %dma_wait3A_146 = arith.constant 1 : i32
        %dma_wait3A_147 = arith.constant 0 : i32
        %dma_wait3A_148 = arith.constant 0 : i32
        %dma_wait3A_149 = tpu.memref_slice %arg6[%dma_wait3A_144, %dma_wait3A_145, %dma_wait3A_147, %dma_wait3A_148] : memref<2x2x200x64xf32, #tpu.memory_space<vmem>> -> memref<1x1x128x64xf32, #tpu.memory_space<vmem>>
        %dma_wait3A_150 = tpu.memref_squeeze %dma_wait3A_149 : memref<1x1x128x64xf32, #tpu.memory_space<vmem>> -> memref<128x64xf32, #tpu.memory_space<vmem>>
        %dma_wait3A_151 = arith.constant 0 : i32
        %dma_wait3A_152 = arith.constant 0 : i32
        %dma_wait3A_153 = tpu.memref_slice %arg3[%dma_wait3A_151, %dma_wait3A_152] : memref<1000000x64xf32, #tpu.memory_space<hbm>> -> memref<128x64xf32, #tpu.memory_space<hbm>>
        %dma_wait3A_154 = tpu.memref_slice %arg7[%dma_wait3A_146] : memref<2x!tpu.dma_semaphore, #tpu.memory_space<semaphore_mem>> -> memref<1x!tpu.dma_semaphore, #tpu.memory_space<semaphore_mem>>
        %dma_wait3A_155 = tpu.memref_squeeze %dma_wait3A_154 : memref<1x!tpu.dma_semaphore, #tpu.memory_space<semaphore_mem>> -> memref<!tpu.dma_semaphore, #tpu.memory_space<semaphore_mem>>
        %dma_wait3A_156 = arith.constant 0 : i32
        %dma_wait3A_157 = arith.constant 0 : i32
        %dma_wait3A_158 = tpu.memref_slice %arg6[%dma_wait3A_144, %dma_wait3A_145, %dma_wait3A_156, %dma_wait3A_157] : memref<2x2x200x64xf32, #tpu.memory_space<vmem>> -> memref<1x1x128x64xf32, #tpu.memory_space<vmem>>
        %dma_wait3A_159 = tpu.memref_squeeze %dma_wait3A_158 : memref<1x1x128x64xf32, #tpu.memory_space<vmem>> -> memref<128x64xf32, #tpu.memory_space<vmem>>
        %dma_wait3A_160 = arith.constant 0 : i32
        %dma_wait3A_161 = arith.constant 0 : i32
        %dma_wait3A_162 = tpu.memref_slice %arg3[%dma_wait3A_160, %dma_wait3A_161] : memref<1000000x64xf32, #tpu.memory_space<hbm>> -> memref<128x64xf32, #tpu.memory_space<hbm>>
        tpu.wait_dma2 semaphore(%dma_wait3A_155 : memref<!tpu.dma_semaphore, #tpu.memory_space<semaphore_mem>>) src(%dma_wait3A_162 : memref<128x64xf32, #tpu.memory_space<hbm>>) dst(%dma_wait3A_159 : memref<128x64xf32, #tpu.memory_space<vmem>>)
        %dma_wait3A_163 = arith.constant 1 : i32
        %dma_wait3A_164 = arith.constant 0 : i32
        %dma_wait3A_165 = arith.constant 1 : i32
        %dma_wait3A_166 = arith.constant 128 : i32
        %dma_wait3A_167 = arith.constant 0 : i32
        %dma_wait3A_168 = tpu.memref_slice %arg6[%dma_wait3A_163, %dma_wait3A_164, %dma_wait3A_166, %dma_wait3A_167] : memref<2x2x200x64xf32, #tpu.memory_space<vmem>> -> memref<1x1x72x64xf32, #tpu.memory_space<vmem>>
        %dma_wait3A_169 = tpu.memref_squeeze %dma_wait3A_168 : memref<1x1x72x64xf32, #tpu.memory_space<vmem>> -> memref<72x64xf32, #tpu.memory_space<vmem>>
        %dma_wait3A_170 = arith.constant 0 : i32
        %dma_wait3A_171 = arith.constant 0 : i32
        %dma_wait3A_172 = tpu.memref_slice %arg3[%dma_wait3A_170, %dma_wait3A_171] : memref<1000000x64xf32, #tpu.memory_space<hbm>> -> memref<72x64xf32, #tpu.memory_space<hbm>>
        %dma_wait3A_173 = tpu.memref_slice %arg7[%dma_wait3A_165] : memref<2x!tpu.dma_semaphore, #tpu.memory_space<semaphore_mem>> -> memref<1x!tpu.dma_semaphore, #tpu.memory_space<semaphore_mem>>
        %dma_wait3A_174 = tpu.memref_squeeze %dma_wait3A_173 : memref<1x!tpu.dma_semaphore, #tpu.memory_space<semaphore_mem>> -> memref<!tpu.dma_semaphore, #tpu.memory_space<semaphore_mem>>
        %dma_wait3A_175 = arith.constant 128 : i32
        %dma_wait3A_176 = arith.constant 0 : i32
        %dma_wait3A_177 = tpu.memref_slice %arg6[%dma_wait3A_163, %dma_wait3A_164, %dma_wait3A_175, %dma_wait3A_176] : memref<2x2x200x64xf32, #tpu.memory_space<vmem>> -> memref<1x1x72x64xf32, #tpu.memory_space<vmem>>
        %dma_wait3A_178 = tpu.memref_squeeze %dma_wait3A_177 : memref<1x1x72x64xf32, #tpu.memory_space<vmem>> -> memref<72x64xf32, #tpu.memory_space<vmem>>
        %dma_wait3A_179 = arith.constant 0 : i32
        %dma_wait3A_180 = arith.constant 0 : i32
        %dma_wait3A_181 = tpu.memref_slice %arg3[%dma_wait3A_179, %dma_wait3A_180] : memref<1000000x64xf32, #tpu.memory_space<hbm>> -> memref<72x64xf32, #tpu.memory_space<hbm>>
        tpu.wait_dma2 semaphore(%dma_wait3A_174 : memref<!tpu.dma_semaphore, #tpu.memory_space<semaphore_mem>>) src(%dma_wait3A_181 : memref<72x64xf32, #tpu.memory_space<hbm>>) dst(%dma_wait3A_178 : memref<72x64xf32, #tpu.memory_space<vmem>>)
        %dma_wait3A_182 = arith.constant 1 : i32
        %dma_wait3A_183 = arith.constant 1 : i32
        %dma_wait3A_184 = arith.constant 1 : i32
        %dma_wait3A_185 = arith.constant 0 : i32
        %dma_wait3A_186 = arith.constant 0 : i32
        %dma_wait3A_187 = tpu.memref_slice %arg6[%dma_wait3A_182, %dma_wait3A_183, %dma_wait3A_185, %dma_wait3A_186] : memref<2x2x200x64xf32, #tpu.memory_space<vmem>> -> memref<1x1x128x64xf32, #tpu.memory_space<vmem>>
        %dma_wait3A_188 = tpu.memref_squeeze %dma_wait3A_187 : memref<1x1x128x64xf32, #tpu.memory_space<vmem>> -> memref<128x64xf32, #tpu.memory_space<vmem>>
        %dma_wait3A_189 = arith.constant 0 : i32
        %dma_wait3A_190 = arith.constant 0 : i32
        %dma_wait3A_191 = tpu.memref_slice %arg3[%dma_wait3A_189, %dma_wait3A_190] : memref<1000000x64xf32, #tpu.memory_space<hbm>> -> memref<128x64xf32, #tpu.memory_space<hbm>>
        %dma_wait3A_192 = tpu.memref_slice %arg7[%dma_wait3A_184] : memref<2x!tpu.dma_semaphore, #tpu.memory_space<semaphore_mem>> -> memref<1x!tpu.dma_semaphore, #tpu.memory_space<semaphore_mem>>
        %dma_wait3A_193 = tpu.memref_squeeze %dma_wait3A_192 : memref<1x!tpu.dma_semaphore, #tpu.memory_space<semaphore_mem>> -> memref<!tpu.dma_semaphore, #tpu.memory_space<semaphore_mem>>
        %dma_wait3A_194 = arith.constant 0 : i32
        %dma_wait3A_195 = arith.constant 0 : i32
        %dma_wait3A_196 = tpu.memref_slice %arg6[%dma_wait3A_182, %dma_wait3A_183, %dma_wait3A_194, %dma_wait3A_195] : memref<2x2x200x64xf32, #tpu.memory_space<vmem>> -> memref<1x1x128x64xf32, #tpu.memory_space<vmem>>
        %dma_wait3A_197 = tpu.memref_squeeze %dma_wait3A_196 : memref<1x1x128x64xf32, #tpu.memory_space<vmem>> -> memref<128x64xf32, #tpu.memory_space<vmem>>
        %dma_wait3A_198 = arith.constant 0 : i32
        %dma_wait3A_199 = arith.constant 0 : i32
        %dma_wait3A_200 = tpu.memref_slice %arg3[%dma_wait3A_198, %dma_wait3A_199] : memref<1000000x64xf32, #tpu.memory_space<hbm>> -> memref<128x64xf32, #tpu.memory_space<hbm>>
        tpu.wait_dma2 semaphore(%dma_wait3A_193 : memref<!tpu.dma_semaphore, #tpu.memory_space<semaphore_mem>>) src(%dma_wait3A_200 : memref<128x64xf32, #tpu.memory_space<hbm>>) dst(%dma_wait3A_197 : memref<128x64xf32, #tpu.memory_space<vmem>>)
        %dma_wait3A_201 = arith.constant 1 : i32
        %dma_wait3A_202 = arith.constant 1 : i32
        %dma_wait3A_203 = arith.constant 1 : i32
        %dma_wait3A_204 = arith.constant 128 : i32
        %dma_wait3A_205 = arith.constant 0 : i32
        %dma_wait3A_206 = tpu.memref_slice %arg6[%dma_wait3A_201, %dma_wait3A_202, %dma_wait3A_204, %dma_wait3A_205] : memref<2x2x200x64xf32, #tpu.memory_space<vmem>> -> memref<1x1x72x64xf32, #tpu.memory_space<vmem>>
        %dma_wait3A_207 = tpu.memref_squeeze %dma_wait3A_206 : memref<1x1x72x64xf32, #tpu.memory_space<vmem>> -> memref<72x64xf32, #tpu.memory_space<vmem>>
        %dma_wait3A_208 = arith.constant 0 : i32
        %dma_wait3A_209 = arith.constant 0 : i32
        %dma_wait3A_210 = tpu.memref_slice %arg3[%dma_wait3A_208, %dma_wait3A_209] : memref<1000000x64xf32, #tpu.memory_space<hbm>> -> memref<72x64xf32, #tpu.memory_space<hbm>>
        %dma_wait3A_211 = tpu.memref_slice %arg7[%dma_wait3A_203] : memref<2x!tpu.dma_semaphore, #tpu.memory_space<semaphore_mem>> -> memref<1x!tpu.dma_semaphore, #tpu.memory_space<semaphore_mem>>
        %dma_wait3A_212 = tpu.memref_squeeze %dma_wait3A_211 : memref<1x!tpu.dma_semaphore, #tpu.memory_space<semaphore_mem>> -> memref<!tpu.dma_semaphore, #tpu.memory_space<semaphore_mem>>
        %dma_wait3A_213 = arith.constant 128 : i32
        %dma_wait3A_214 = arith.constant 0 : i32
        %dma_wait3A_215 = tpu.memref_slice %arg6[%dma_wait3A_201, %dma_wait3A_202, %dma_wait3A_213, %dma_wait3A_214] : memref<2x2x200x64xf32, #tpu.memory_space<vmem>> -> memref<1x1x72x64xf32, #tpu.memory_space<vmem>>
        %dma_wait3A_216 = tpu.memref_squeeze %dma_wait3A_215 : memref<1x1x72x64xf32, #tpu.memory_space<vmem>> -> memref<72x64xf32, #tpu.memory_space<vmem>>
        %dma_wait3A_217 = arith.constant 0 : i32
        %dma_wait3A_218 = arith.constant 0 : i32
        %dma_wait3A_219 = tpu.memref_slice %arg3[%dma_wait3A_217, %dma_wait3A_218] : memref<1000000x64xf32, #tpu.memory_space<hbm>> -> memref<72x64xf32, #tpu.memory_space<hbm>>
        tpu.wait_dma2 semaphore(%dma_wait3A_212 : memref<!tpu.dma_semaphore, #tpu.memory_space<semaphore_mem>>) src(%dma_wait3A_219 : memref<72x64xf32, #tpu.memory_space<hbm>>) dst(%dma_wait3A_216 : memref<72x64xf32, #tpu.memory_space<vmem>>)
        %mul3A_220 = arith.constant 2 : i32
        %mul3A_221 = arith.muli %add3A_131, %mul3A_220 : i32
        %add3A_222 = arith.addi %mul3A_2, %mul3A_221 : i32
        %dma_start3A_223 = arith.constant 1 : i32
        %dma_start3A_224 = arith.constant 1 : i32
        %dma_start3A_225 = arith.constant 0 : i32
        %dma_start3A_226 = arith.constant 0 : i32
        %dma_start3A_227 = arith.constant 0 : i32
        %dma_start3A_228 = tpu.memref_slice %arg6[%dma_start3A_223, %dma_start3A_225, %dma_start3A_226, %dma_start3A_227] : memref<2x2x200x64xf32, #tpu.memory_space<vmem>> -> memref<1x2x200x64xf32, #tpu.memory_space<vmem>>
        %dma_start3A_229 = tpu.memref_squeeze %dma_start3A_228 : memref<1x2x200x64xf32, #tpu.memory_space<vmem>> -> memref<2x200x64xf32, #tpu.memory_space<vmem>>
        %dma_start3A_230 = arith.constant 0 : i32
        %dma_start3A_231 = arith.constant 0 : i32
        %dma_start3A_232 = tpu.memref_slice %arg4[%add3A_222, %dma_start3A_230, %dma_start3A_231] : memref<2048x200x64xf32, #tpu.memory_space<hbm>> -> memref<2x200x64xf32, #tpu.memory_space<hbm>>
        %dma_start3A_233 = tpu.memref_slice %arg8[%dma_start3A_224] : memref<2x!tpu.dma_semaphore, #tpu.memory_space<semaphore_mem>> -> memref<1x!tpu.dma_semaphore, #tpu.memory_space<semaphore_mem>>
        %dma_start3A_234 = tpu.memref_squeeze %dma_start3A_233 : memref<1x!tpu.dma_semaphore, #tpu.memory_space<semaphore_mem>> -> memref<!tpu.dma_semaphore, #tpu.memory_space<semaphore_mem>>
        %dma_start3A_235 = arith.constant 0 : i32
        %dma_start3A_236 = arith.constant 0 : i32
        %dma_start3A_237 = tpu.memref_slice %arg4[%add3A_222, %dma_start3A_235, %dma_start3A_236] : memref<2048x200x64xf32, #tpu.memory_space<hbm>> -> memref<2x200x64xf32, #tpu.memory_space<hbm>>
        %dma_start3A_238 = arith.constant 0 : i32
        %dma_start3A_239 = arith.constant 0 : i32
        %dma_start3A_240 = arith.constant 0 : i32
        %dma_start3A_241 = tpu.memref_slice %arg6[%dma_start3A_223, %dma_start3A_238, %dma_start3A_239, %dma_start3A_240] : memref<2x2x200x64xf32, #tpu.memory_space<vmem>> -> memref<1x2x200x64xf32, #tpu.memory_space<vmem>>
        %dma_start3A_242 = tpu.memref_squeeze %dma_start3A_241 : memref<1x2x200x64xf32, #tpu.memory_space<vmem>> -> memref<2x200x64xf32, #tpu.memory_space<vmem>>
        tpu.enqueue_dma source(%dma_start3A_242 : memref<2x200x64xf32, #tpu.memory_space<vmem>>) target(%dma_start3A_237 : memref<2x200x64xf32, #tpu.memory_space<hbm>>) target_semaphore(%dma_start3A_234 : memref<!tpu.dma_semaphore, #tpu.memory_space<semaphore_mem>>)
      } else {
      }
    }
    %scan3A_70 = arith.constant 16 : i32
    %dma_wait3A = arith.constant 0 : i32
    %dma_wait3A_71 = arith.constant 0 : i32
    %dma_wait3A_72 = arith.constant 0 : i32
    %dma_wait3A_73 = arith.constant 0 : i32
    %dma_wait3A_74 = arith.constant 0 : i32
    %dma_wait3A_75 = tpu.memref_slice %arg6[%dma_wait3A, %dma_wait3A_72, %dma_wait3A_73, %dma_wait3A_74] : memref<2x2x200x64xf32, #tpu.memory_space<vmem>> -> memref<1x2x200x64xf32, #tpu.memory_space<vmem>>
    %dma_wait3A_76 = tpu.memref_squeeze %dma_wait3A_75 : memref<1x2x200x64xf32, #tpu.memory_space<vmem>> -> memref<2x200x64xf32, #tpu.memory_space<vmem>>
    %dma_wait3A_77 = arith.constant 0 : i32
    %dma_wait3A_78 = arith.constant 0 : i32
    %dma_wait3A_79 = arith.constant 0 : i32
    %dma_wait3A_80 = tpu.memref_slice %arg4[%dma_wait3A_77, %dma_wait3A_78, %dma_wait3A_79] : memref<2048x200x64xf32, #tpu.memory_space<hbm>> -> memref<2x200x64xf32, #tpu.memory_space<hbm>>
    %dma_wait3A_81 = tpu.memref_slice %arg8[%dma_wait3A_71] : memref<2x!tpu.dma_semaphore, #tpu.memory_space<semaphore_mem>> -> memref<1x!tpu.dma_semaphore, #tpu.memory_space<semaphore_mem>>
    %dma_wait3A_82 = tpu.memref_squeeze %dma_wait3A_81 : memref<1x!tpu.dma_semaphore, #tpu.memory_space<semaphore_mem>> -> memref<!tpu.dma_semaphore, #tpu.memory_space<semaphore_mem>>
    %dma_wait3A_83 = arith.constant 0 : i32
    %dma_wait3A_84 = arith.constant 0 : i32
    %dma_wait3A_85 = arith.constant 0 : i32
    %dma_wait3A_86 = tpu.memref_slice %arg4[%dma_wait3A_83, %dma_wait3A_84, %dma_wait3A_85] : memref<2048x200x64xf32, #tpu.memory_space<hbm>> -> memref<2x200x64xf32, #tpu.memory_space<hbm>>
    %dma_wait3A_87 = arith.constant 0 : i32
    %dma_wait3A_88 = arith.constant 0 : i32
    %dma_wait3A_89 = arith.constant 0 : i32
    %dma_wait3A_90 = tpu.memref_slice %arg6[%dma_wait3A, %dma_wait3A_87, %dma_wait3A_88, %dma_wait3A_89] : memref<2x2x200x64xf32, #tpu.memory_space<vmem>> -> memref<1x2x200x64xf32, #tpu.memory_space<vmem>>
    %dma_wait3A_91 = tpu.memref_squeeze %dma_wait3A_90 : memref<1x2x200x64xf32, #tpu.memory_space<vmem>> -> memref<2x200x64xf32, #tpu.memory_space<vmem>>
    tpu.wait_dma2 semaphore(%dma_wait3A_82 : memref<!tpu.dma_semaphore, #tpu.memory_space<semaphore_mem>>) src(%dma_wait3A_91 : memref<2x200x64xf32, #tpu.memory_space<vmem>>) dst(%dma_wait3A_86 : memref<2x200x64xf32, #tpu.memory_space<hbm>>)
    %dma_wait3A_92 = arith.constant 1 : i32
    %dma_wait3A_93 = arith.constant 1 : i32
    %dma_wait3A_94 = arith.constant 0 : i32
    %dma_wait3A_95 = arith.constant 0 : i32
    %dma_wait3A_96 = arith.constant 0 : i32
    %dma_wait3A_97 = tpu.memref_slice %arg6[%dma_wait3A_92, %dma_wait3A_94, %dma_wait3A_95, %dma_wait3A_96] : memref<2x2x200x64xf32, #tpu.memory_space<vmem>> -> memref<1x2x200x64xf32, #tpu.memory_space<vmem>>
    %dma_wait3A_98 = tpu.memref_squeeze %dma_wait3A_97 : memref<1x2x200x64xf32, #tpu.memory_space<vmem>> -> memref<2x200x64xf32, #tpu.memory_space<vmem>>
    %dma_wait3A_99 = arith.constant 0 : i32
    %dma_wait3A_100 = arith.constant 0 : i32
    %dma_wait3A_101 = arith.constant 0 : i32
    %dma_wait3A_102 = tpu.memref_slice %arg4[%dma_wait3A_99, %dma_wait3A_100, %dma_wait3A_101] : memref<2048x200x64xf32, #tpu.memory_space<hbm>> -> memref<2x200x64xf32, #tpu.memory_space<hbm>>
    %dma_wait3A_103 = tpu.memref_slice %arg8[%dma_wait3A_93] : memref<2x!tpu.dma_semaphore, #tpu.memory_space<semaphore_mem>> -> memref<1x!tpu.dma_semaphore, #tpu.memory_space<semaphore_mem>>
    %dma_wait3A_104 = tpu.memref_squeeze %dma_wait3A_103 : memref<1x!tpu.dma_semaphore, #tpu.memory_space<semaphore_mem>> -> memref<!tpu.dma_semaphore, #tpu.memory_space<semaphore_mem>>
    %dma_wait3A_105 = arith.constant 0 : i32
    %dma_wait3A_106 = arith.constant 0 : i32
    %dma_wait3A_107 = arith.constant 0 : i32
    %dma_wait3A_108 = tpu.memref_slice %arg4[%dma_wait3A_105, %dma_wait3A_106, %dma_wait3A_107] : memref<2048x200x64xf32, #tpu.memory_space<hbm>> -> memref<2x200x64xf32, #tpu.memory_space<hbm>>
    %dma_wait3A_109 = arith.constant 0 : i32
    %dma_wait3A_110 = arith.constant 0 : i32
    %dma_wait3A_111 = arith.constant 0 : i32
    %dma_wait3A_112 = tpu.memref_slice %arg6[%dma_wait3A_92, %dma_wait3A_109, %dma_wait3A_110, %dma_wait3A_111] : memref<2x2x200x64xf32, #tpu.memory_space<vmem>> -> memref<1x2x200x64xf32, #tpu.memory_space<vmem>>
    %dma_wait3A_113 = tpu.memref_squeeze %dma_wait3A_112 : memref<1x2x200x64xf32, #tpu.memory_space<vmem>> -> memref<2x200x64xf32, #tpu.memory_space<vmem>>
    tpu.wait_dma2 semaphore(%dma_wait3A_104 : memref<!tpu.dma_semaphore, #tpu.memory_space<semaphore_mem>>) src(%dma_wait3A_113 : memref<2x200x64xf32, #tpu.memory_space<vmem>>) dst(%dma_wait3A_108 : memref<2x200x64xf32, #tpu.memory_space<hbm>>)
    return
  }
}

</mosaic_0001>

<sc_bundles>
// kernel: kernel.4.cloned.1.call-start
scs
__scs_entry_jumppad:
0x0: {  	(pc) =	sbr.rel $0x88, $3  }
0x1: {  	(tag) =	ssettag $0x0;
	lr =	simm.s32 $0x1  }
0x2: {  	[smem:$0x3F9F] =	sst lr;
	_ =	strace $0xD0000000  }
0x3: {  	_ = 	snop  }
0x4: {  	_ = 	snop  }
0x5: {  	_ = 	snop  }
0x6: {  	_ = 	snop  }
0x7: {  	_ = 	snop  }
__scs_overlays_trampoline_lowered:
0x8: {  	[smem:$0x3FAE] =	sst s0  }
0x9: {  	[smem:$0x3FAF] =	sst s1  }
0xa: {  	[smem:$0x3FB0] =	sst s2  }
0xb: {  	[smem:$0x3FB1] =	sst s3  }
0xc: {  	[smem:$0x3FB2] =	sst s4  }
0xd: {  	[smem:$0x3FB3] =	sst s5  }
0xe: {  	[smem:$0x3FB4] =	sst s6  }
0xf: {  	[smem:$0x3FB5] =	sst s7  }
0x10: {  	[smem:$0x3FB6] =	sst s8  }
0x11: {  	[smem:$0x3FB7] =	sst s9;
	s0 =	simm.s32 @!p0 $0x0  }
0x12: {  	s1 =	sld [smem:$0x3F9D];
	s0 =	simm.s32 @p0 $0x1  }
0x13: {  	[smem:$0x3FB8] =	sst s0;
	s0 =	simm.s32 @!p1 $0x0  }
0x14: {  	s2 =	sld [smem:$0x3F9C];
	s0 =	simm.s32 @p1 $0x1  }
0x15: {  	[smem:$0x3FB9] =	sst s0;
	s0 =	simm.s32 @!p2 $0x0  }
0x16: {  	s3 =	sld [smem:$0x3FDB];
	s0 =	simm.s32 @p2 $0x1  }
0x17: {  	s4 =	simm.s32 $0x1BF5;
	[smem:$0x3FBB] =	sst s0  }
0x18: {  	s0 =	sld [smem:$0x3F9E];
	_ =	swait.ge [sflag:s4], $0x0  }
0x19: {  	s7 =	sld [smem:$0x3F9F]  }
0x1a: {  	s8 =	sadd.s32 $0xFFFFE003, lr  }
0x1b: {  	s9 =	sadd.s32 $0xFFFFFEF7, lr;
	s5 =	simm.s32 $0xFFFFFFFF;
	p2 =	slt.u32 s8, $0xFFFFF086  }
0x1c: {  	p1 =	slt.u32 s9, $0xF7A;
	s5 =	simm.s32 @!p2 $0x0  }
0x1d: {  	s5 =	simm.s32 @p1 $0x1;
	p0 =	seq.s32 s7, s2  }
0x1e: {  	s7 =	smul.u32 @!p0 $0xF7A, s2;
	p2 =	seq.s32 @!p0 s5, $0x0  }
0x1f: {  	s9 =	smul.u32 $0xF7A, s1;
	s8 =	simm.s32 @!p0 $0x1BF5;
	p2 =	por !p2, p0  }
0x20: {  	[sflag:s8] =	ssyncset.s32 @!p0 $0xFFFFF086;
	s6 =	sadd.s32 @!p0 s3, s7;
	s7 =	simm.s32 @!p0 $0x108  }
0x21: {  	s3 =	sadd.s32 s3, s9;
	s6 =	sadd.s32 @!p0 $0x88, s6;
	s7 =	simm.s32 @p2 $0x1082  }
0x22: {  	[simem:s7], [sflag:s8] =	dma.local @!p0 [hbm:s6], $0xF7A  }
0x23: {  	s9 =	sor.u32 $0xD0000000, s2;
	s6 =	simm.s32 $0x108;
	_ =	swait.ge @!p0 [sflag:s8], $0x0  }
0x24: {  	s3 =	sadd.s32 $0x88, s3;
	s6 =	simm.s32 @!p1 $0x1082;
	[sflag:s4] =	ssyncset.s32 $0xFFFFF086  }
0x25: {  	[simem:s6], [sflag:s4] =	dma.local [hbm:s3], $0xF7A  }
0x26: {  	[smem:$0x3F9F] =	sst s1;
	(tag) =	ssettag s2;
	_ =	strace s9  }
0x27: {  	s1 =	sld [smem:$0x3FAF]  }
0x28: {  	s2 =	sld [smem:$0x3FB0]  }
0x29: {  	s4 =	sld [smem:$0x3FB2]  }
0x2a: {  	p0 =	seq.s32 s5, $0x0;
	s5 =	sld [smem:$0x3FB3]  }
0x2b: {  	s6 =	sld [smem:$0x3FB4]  }
0x2c: {  	s7 =	sld [smem:$0x3FB5]  }
0x2d: {  	s3 =	simm.s32 $0x108;
	s8 =	sld [smem:$0x3FB6]  }
0x2e: {  	s3 =	simm.s32 @!p0 $0x1082;
	s9 =	sld [smem:$0x3FB7]  }
0x2f: {  	lr =	sadd.s32 s0, s3;
	s0 =	sld [smem:$0x3FAE]  }
0x30: {  	s3 =	sld [smem:$0x3FB1]  }
0x31: {  	[smem:$0x3FBA] =	sst s10  }
0x32: {  	s10 =	sld [smem:$0x3FB8];
	_ =	sdelay $0x3  }
0x33: {  	p0 =	seq.s32 s10, $0x1;
	s10 =	sld [smem:$0x3FBA];
	_ =	sdelay $0x3  }
0x34: {  	[smem:$0x3FBA] =	sst s10  }
0x35: {  	s10 =	sld [smem:$0x3FB9];
	_ =	sdelay $0x3  }
0x36: {  	p1 =	seq.s32 s10, $0x1;
	s10 =	sld [smem:$0x3FBA];
	_ =	sdelay $0x3  }
0x37: {  	[smem:$0x3FBA] =	sst s10  }
0x38: {  	s10 =	sld [smem:$0x3FBB]  }
0x39: {  	_ = 	snop;
	(pc) =	sbr.ind lr, $3  }
0x3a: {  	_ = 	snop  }
0x3b: {  	_ = 	snop  }
0x3c: {  	p2 =	seq.s32 s10, $0x1;
	s10 =	sld [smem:$0x3FBA]  }
0x3d: {  	_ =	shalt  }
0x3e: {  	_ =	shalt  }
0x3f: {  	_ =	shalt  }
0x40: {  	_ =	shalt  }
0x41: {  	_ =	shalt  }
0x42: {  	_ =	shalt  }
0x43: {  	_ =	shalt  }
0x44: {  	_ =	shalt  }
0x45: {  	_ =	shalt  }
0x46: {  	_ =	shalt  }
0x47: {  	_ =	shalt  }
0x48: {  	_ =	shalt  }
0x49: {  	_ =	shalt  }
0x4a: {  	_ =	shalt  }
0x4b: {  	_ =	shalt  }
0x4c: {  	_ =	shalt  }
0x4d: {  	_ =	shalt  }
0x4e: {  	_ =	shalt  }
0x4f: {  	_ =	shalt  }
0x50: {  	_ =	shalt  }
0x51: {  	_ =	shalt  }
0x52: {  	_ =	shalt  }
0x53: {  	_ =	shalt  }
0x54: {  	_ =	shalt  }
0x55: {  	_ =	shalt  }
0x56: {  	_ =	shalt  }
0x57: {  	_ =	shalt  }
0x58: {  	_ =	shalt  }
0x59: {  	_ =	shalt  }
0x5a: {  	_ =	shalt  }
0x5b: {  	_ =	shalt  }
0x5c: {  	_ =	shalt  }
0x5d: {  	_ =	shalt  }
0x5e: {  	_ =	shalt  }
0x5f: {  	_ =	shalt  }
0x60: {  	_ =	shalt  }
0x61: {  	_ =	shalt  }
0x62: {  	_ =	shalt  }
0x63: {  	_ =	shalt  }
0x64: {  	_ =	shalt  }
0x65: {  	_ =	shalt  }
0x66: {  	_ =	shalt  }
0x67: {  	_ =	shalt  }
0x68: {  	_ =	shalt  }
0x69: {  	_ =	shalt  }
0x6a: {  	_ =	shalt  }
0x6b: {  	_ =	shalt  }
0x6c: {  	_ =	shalt  }
0x6d: {  	_ =	shalt  }
0x6e: {  	_ =	shalt  }
0x6f: {  	_ =	shalt  }
0x70: {  	_ =	shalt  }
0x71: {  	_ =	shalt  }
0x72: {  	_ =	shalt  }
0x73: {  	_ =	shalt  }
0x74: {  	_ =	shalt  }
0x75: {  	_ =	shalt  }
0x76: {  	_ =	shalt  }
0x77: {  	_ =	shalt  }
0x78: {  	_ =	shalt  }
0x79: {  	_ =	shalt  }
0x7a: {  	_ =	shalt  }
0x7b: {  	_ =	shalt  }
0x7c: {  	_ =	shalt  }
0x7d: {  	_ =	shalt  }
0x7e: {  	_ =	shalt  }
0x7f: {  	_ =	shalt  }
0x80: {  	_ =	shalt  }
0x81: {  	_ =	shalt  }
0x82: {  	_ =	shalt  }
0x83: {  	_ =	shalt  }
0x84: {  	_ =	shalt  }
0x85: {  	_ =	shalt  }
0x86: {  	_ =	shalt  }
0x87: {  	_ =	shalt  }
.Lfunc_end0:
.L_simem_size_0:
called_computation.1_lowered:
.L_overlay_start_0:
0x88: {  	s2 =	sld [smem:$0x3FD9]  }
0x89: {  	s3 =	sld [smem:$0x3FFE];
	_ =	sdelay $0x1  }
0x8a: {  	s1 =	srdreg.scid  }
0x8b: {  	s0 =	sand.u32 $0x1, s1  }
0x8c: {  	s17 =	sshll.u32 s0, $0xA;
	s2 =	sadd.s32 s3, s2  }
0x8d: {  	s2 =	sadd.s32 s2, s17  }
0x8e: {  	[smem:$0x3FC6] =	sst s2  }
0x8f: {  	_ = 	snop  }
0x90: {  	(tm) =	ssettm $0x1  }
0x91: {  	s18 =	sld [smem:$0x3FFB];
	_ =	sdelay $0x3  }
0x92: {  	_ =	strace s18  }
0x93: {  	s2 =	sld [smem:$0x3FFC];
	_ =	sdelay $0x3  }
0x94: {  	_ =	strace s2  }
0x95: {  	s2 =	sld [smem:$0x3FFD];
	_ =	sdelay $0x3  }
0x96: {  	_ =	strace s2  }
0x97: {  	_ =	strace $0x8FFFFFFF  }
0x98: {  	s19 =	sld [smem:$0x3FDB];
	_ =	sdelay $0x1  }
0x99: {  	s20 =	simm.s32 $_scs_section_size  }
0x9a: {  	s4 =	simm.s32 $_size__tile_overlayer_lowered;
	s5 =	simm.s32 $_tile_overlayer_lowered  }
0x9b: {  	s6 =	simm.s32 $0x1BFF;
	s21 =	sshll.u32 s5, $0x1;
	s3 =	sadd.s32 s20, s19  }
0x9c: {  	s22 =	simm.s32 $0x0;
	s4 =	sshll.u32 s4, $0x1;
	s5 =	sadd.s32 s21, s3  }
0x9d: {  	[timem:s22], [sflag:s6] =	dma.local [hbm:s5], s4  }
0x9e: {  	_ =	swait.ge [sflag:s6], s4  }
0x9f: {  	s4 =	ssub.s32 $0x0, s4;
	[sflag:s6] =	ssyncset.done $0x0  }
0xa0: {  	[sflag:s6] =	ssyncadd.s32 s4;
	_ =	sdelay $0x1  }
0xa1: {  	s23 =	simm.s32 $0x1B8B  }
0xa2: {  	_ =	swait.ge [sflag:s23], $0x1  }
0xa3: {  	[sflag:s23] =	ssyncset.done $0x0  }
0xa4: {  	[sflag:s23] =	ssyncadd.s32 $0xFFFFFFFF  }
0xa5: {  	s4 =	sld [smem:$0x0]  }
0xa6: {  	s5 =	sand.u32 $0xFFFFFFFE, s1  }
0xa7: {  	p0 =	sne.s32 s1, s5  }
0xa8: {  	s5 =	sshll.u32 @p0 s5, $0xE  }
0xa9: {  	s5 =	sadd.s32 @p0 $0x11B8D, s5;
	s6 =	sshll.u32 @p0 s4, $0x11  }
0xaa: {  	s5 =	sor.u32 @p0 s6, s5  }
0xab: {  	[sflag:s5] =	ssyncadd.remote.s32 @p0 $0x1;
	_ =	sdelay $0x1  }
0xac: {  	s5 =	simm.s32 @p0 $0x1B8D  }
0xad: {  	_ =	swait.eq @p0 [sflag:s5], $0x1  }
0xae: {  	[sflag:s5] =	ssyncadd.s32 @p0 $0xFFFFFFFF  }
0xaf: {  	s6 =	sshll.u32 @!p0 s1, $0xE  }
0xb0: {  	s6 =	sor.u32 @!p0 $0x4000, s6;
	s5 =	simm.s32 @!p0 $0x1B8D  }
0xb1: {  	s4 =	sshll.u32 @!p0 s4, $0x11;
	s6 =	sadd.s32 @!p0 $0x11B8D, s6;
	_ =	swait.eq @!p0 [sflag:s5], $0x1  }
0xb2: {  	s4 =	sor.u32 @!p0 s4, s6;
	[sflag:s5] =	ssyncadd.s32 @!p0 $0xFFFFFFFF  }
0xb3: {  	s25 =	simm.s32 $0x1B8E;
	s24 =	sld [smem:$0x3FFE];
	[sflag:s4] =	ssyncadd.remote.s32 @!p0 $0x1  }
0xb4: {  	s26 =	simm.s32 $execute0_lowered;
	[smem:$0x3FD2] =	sst s25  }
0xb5: {  	s5 =	sshll.u32 s26, $0x1;
	_ =	strace $0x80000049;
	[dreg:$0x1] =	wrdreg $0xFFFFFFFF  }
0xb6: {  	s28 =	simm.s32 $_size_execute0_lowered;
	s3 =	sadd.s32 s3, s5;
	[dreg:$0x0] =	wrdreg $0x0  }
0xb7: {  	s5 =	sshll.u32 s28, $0x1;
	[dreg:$0x2] =	wrdreg s3  }
0xb8: {  	[dreg:$0x3] =	wrdreg s5  }
0xb9: {  	[dreg:$0x4] =	wrdreg $0xC0  }
0xba: {  	_ =	task [dreg:s22], $0x5FFFF  }
0xbb: {  	[dreg:$0x1] =	wrdreg $0xFFFFFFFF  }
0xbc: {  	[dreg:$0x0] =	wrdreg $0x60  }
0xbd: {  	[dreg:$0x2] =	wrdreg s24  }
0xbe: {  	[dreg:$0x3] =	wrdreg $0x9  }
0xbf: {  	_ =	task.clear_ibuf [dreg:s22], $0x4FFFF;
	_ =	strace $0x90000049  }
0xc0: {  	s29 =	simm.s32 $0x9;
	_ =	strace $0x8000004B  }
0xc1: {  	_ =	swait.ge [sflag:s29], $0x1  }
0xc2: {  	[sflag:s29] =	ssyncadd.s32 $0xFFFFFFFF  }
0xc3: {  	_ =	strace $0x9000004B  }
0xc4: {  	_ =	sfence  }
0xc5: {  	s30 =	sld [smem:$0x0];
	_ =	sdelay $0x2  }
0xc6: {  	s31 =	sshll.u32 s1, $0xD;
	s1 =	sshrl.u32 s1, $0x2  }
0xc7: {  	s4 =	sand.u32 $0x4000, s31;
	s1 =	sadd.s32 s1, s30  }
0xc8: {  	s0 =	sor.u32 s4, s0;
	s1 =	sshll.u32 s1, $0x11  }
0xc9: {  	s0 =	sor.u32 s1, s0  }
0xca: {  	s0 =	sadd.s32 $0x8F2B, s0  }
0xcb: {  	[sflag:s0] =	ssyncadd.remote.s32 $0x1  }
0xcc: {  	_ =	sfence.sel $0xFFFF  }
0xcd: {  	[dreg:$0x0] =	wrdreg $0xFFFFFFFF;
	(pc) =	sbr.abs _section_cstart, $3  }
0xce: {  	[dreg:$0x1] =	wrdreg $0xFFFFFFFF  }
0xcf: {  	_ =	task.clear_ibuf [dreg:s22], $0x2FFFF;
	_ =	strace $0x9FFFFFFF  }
0xd0: {  	(tm) =	ssettm $0x7FFFFFFF  }
0xd1: {  	_ =	shalt  }
tec
execute0_lowered:
.L_overlay_start_1:
0x0: {  	(tag) =	ssettag $0x1  }
0x1: {  	s0 =	srdreg.scid  }
0x2: {  	s8 =	stileid.u32;
	s1 =	rddreg [dreg:$0x0];
	s2 =	simm.s32 $0x0  }
0x3: {  	s11 =	simm.s32 $0x5;
	s12 =	simm.s32 $0x80;
	s13 =	simm.s32 $0x3200  }
0x4: {  	s14 =	simm.s32 $0x48;
	s15 =	simm.s32 $0x5200;
	s17 =	simm.s32 $0x6400  }
0x5: {  	s19 =	simm.s32 $0x8400;
	s21 =	simm.s32 $0x9600;
	s23 =	simm.s32 $0xB600  }
0x6: {  	s25 =	simm.s32 $0xC800;
	s28 =	simm.s32 $0xE800;
	s29 =	simm.s32 $0x1  }
0x7: {  	s30 =	simm.s32 $0x3;
	s18 =	simm.s32 $0x2;
	s20 =	simm.s32 $0x4  }
0x8: {  	s0 =	sand.u32 $0x1, s0;
	s3 =	sshll.u32 s8, $0x1;
	s8 =	smul.u32 $0x32000, s8  }
0x9: {  	s3 =	sor.u32 s0, s3;
	s5 =	ssub.s32 $0x2, s0;
	s0 =	smul.u32 $0x19000, s0  }
0xa: {  	s26 =	simm.s32 $0x3138;
	[smem:$0x7FF] =	sst s2;
	s4 =	smul.u32 $0x640, s3  }
0xb: {  	s31 =	simm.s32 $0x31B8;
	_ =	strace $0x8000004A;
	s6 =	smul.u32 $0x19000, s3  }
0xc: {  	s3 =	sadd.s32 $0xF4FC00, s1;
	s7 =	sshrl.u32 s5, $0x1;
	s4 =	sadd.s32 s4, s1  }
0xd: {  	s7 =	ssub.s32 s5, s7;
	s1 =	sadd.s32 $0x33A000, s1;
	s4 =	sadd.s32 $0x32D800, s4  }
0xe: {  	s5 =	sadd.s32 s1, s6;
	s1 =	sadd.s32 s8, s1;
	s6 =	smax.u32 s7, $0x1  }
0xf: {  	s7 =	sadd.s32 $0xC80, s5;
	s0 =	sadd.s32 s0, s1;
	s8 =	sadd.s32 $0x17700, s5  }
0x10: {  	s9 =	sadd.s32 $0x18380, s5;
	s1 =	simm.s32 $0x0;
	s10 =	sadd.s32 $0x1900, s0  }
.LBB2_1:
0x11: {  	[tilespmem:s2], [sflag:$0x5] =	stream.linear.gather [hbm4b:s4+s2], $0x3200, $0x38;
	[tilespmem:$0xFA00] =	vst v63  }
0x12: {  	_ =	swait.ge [sflag:s11], $0x3200  }
0x13: {  	[sflag:s11] =	ssyncset.done $0x0  }
0x14: {  	[sflag:s11] =	ssyncadd.s32 $0xFFFFCE00  }
0x15: {  	[tilespmem:s13], [sflag:$0x1] =	stream.indirect.gather [hbm4b:s3+s12], $0x40, s2, s12, $0xb8;
	[tilespmem:$0xFA00] =	vst v63  }
0x16: {  	_ = 	snop  }
0x17: {  	[tilespmem:s15], [sflag:$0x1] =	stream.indirect.gather [hbm4b:s3+s14], $0x40, s12, s14, $0xb8;
	[tilespmem:$0xFA00] =	vst v63  }
0x18: {  	s0 =	simm.s32 $0xC8  }
0x19: {  	[tilespmem:s17], [sflag:$0x1] =	stream.indirect.gather [hbm4b:s3+s12], $0x40, s0, s12, $0xb8;
	[tilespmem:$0xFA00] =	vst v63  }
0x1a: {  	s22 =	simm.s32 $0x148  }
0x1b: {  	[tilespmem:s19], [sflag:$0x1] =	stream.indirect.gather [hbm4b:s3+s14], $0x40, s22, s14, $0xb8;
	[tilespmem:$0xFA00] =	vst v63  }
0x1c: {  	s24 =	simm.s32 $0x190  }
0x1d: {  	[tilespmem:s21], [sflag:$0x2] =	stream.indirect.gather [hbm4b:s3+s12], $0x40, s24, s12, $0xb8;
	[tilespmem:$0xFA00] =	vst v63  }
0x1e: {  	s16 =	simm.s32 $0x210  }
0x1f: {  	[tilespmem:s23], [sflag:$0x2] =	stream.indirect.gather [hbm4b:s3+s14], $0x40, s16, s14, $0xb8;
	[tilespmem:$0xFA00] =	vst v63  }
0x20: {  	s22 =	simm.s32 $0x258  }
0x21: {  	[tilespmem:s25], [sflag:$0x2] =	stream.indirect.gather [hbm4b:s3+s12], $0x40, s22, s12, $0xb8;
	[tilespmem:$0xFA00] =	vst v63  }
0x22: {  	s24 =	simm.s32 $0x2D8  }
0x23: {  	[tilespmem:s28], [sflag:$0x2] =	stream.indirect.gather [hbm4b:s3+s14], $0x40, s24, s14, $0xb8;
	[tilespmem:$0xFA00] =	vst v63  }
0x24: {  	_ =	swait.ge [sflag:s29], $0x2000  }
0x25: {  	[sflag:s29] =	ssyncset.done $0x0  }
0x26: {  	[sflag:s29] =	ssyncadd.s32 $0xFFFFE000  }
0x27: {  	_ =	swait.ge [sflag:s29], $0x1200  }
0x28: {  	[sflag:s29] =	ssyncset.done $0x0  }
0x29: {  	[sflag:s29] =	ssyncadd.s32 $0xFFFFEE00  }
0x2a: {  	_ =	swait.ge [sflag:s29], $0x2000  }
0x2b: {  	[sflag:s29] =	ssyncset.done $0x0  }
0x2c: {  	[sflag:s29] =	ssyncadd.s32 $0xFFFFE000  }
0x2d: {  	_ =	swait.ge [sflag:s29], $0x1200  }
0x2e: {  	[sflag:s29] =	ssyncset.done $0x0  }
0x2f: {  	[sflag:s29] =	ssyncadd.s32 $0xFFFFEE00  }
0x30: {  	[hbm4b:s5+s2] =	stream.linear.scatter [tilespmem:s13], [sflag:$0x3], $0x6400, $0x38;
	[tilespmem:$0xFA00] =	vst v63  }
0x31: {  	_ =	swait.ge [sflag:s30], $0x6400  }
0x32: {  	[sflag:s30] =	ssyncset.done $0x0  }
0x33: {  	s16 =	simm.s32 $0x320;
	[sflag:s30] =	ssyncadd.s32 $0xFFFF9C00  }
0x34: {  	[tilespmem:s13], [sflag:$0x1] =	stream.indirect.gather [hbm4b:s3+s12], $0x40, s16, s12, $0xb8;
	[tilespmem:$0xFA00] =	vst v63  }
0x35: {  	s22 =	simm.s32 $0x3A0  }
0x36: {  	[tilespmem:s15], [sflag:$0x1] =	stream.indirect.gather [hbm4b:s3+s14], $0x40, s22, s14, $0xb8;
	[tilespmem:$0xFA00] =	vst v63  }
0x37: {  	s24 =	simm.s32 $0x3E8  }
0x38: {  	[tilespmem:s17], [sflag:$0x1] =	stream.indirect.gather [hbm4b:s3+s12], $0x40, s24, s12, $0xb8;
	[tilespmem:$0xFA00] =	vst v63  }
0x39: {  	s16 =	simm.s32 $0x468  }
0x3a: {  	[tilespmem:s19], [sflag:$0x1] =	stream.indirect.gather [hbm4b:s3+s14], $0x40, s16, s14, $0xb8;
	[tilespmem:$0xFA00] =	vst v63  }
0x3b: {  	_ =	swait.ge [sflag:s18], $0x2000  }
0x3c: {  	[sflag:s18] =	ssyncset.done $0x0  }
0x3d: {  	[sflag:s18] =	ssyncadd.s32 $0xFFFFE000  }
0x3e: {  	_ =	swait.ge [sflag:s18], $0x1200  }
0x3f: {  	[sflag:s18] =	ssyncset.done $0x0  }
0x40: {  	[sflag:s18] =	ssyncadd.s32 $0xFFFFEE00  }
0x41: {  	_ =	swait.ge [sflag:s18], $0x2000  }
0x42: {  	[sflag:s18] =	ssyncset.done $0x0  }
0x43: {  	[sflag:s18] =	ssyncadd.s32 $0xFFFFE000  }
0x44: {  	_ =	swait.ge [sflag:s18], $0x1200  }
0x45: {  	[sflag:s18] =	ssyncset.done $0x0  }
0x46: {  	[sflag:s18] =	ssyncadd.s32 $0xFFFFEE00  }
0x47: {  	[hbm4b:s7+s2] =	stream.linear.scatter [tilespmem:s21], [sflag:$0x4], $0x6400, $0x38;
	[tilespmem:$0xFA00] =	vst v63  }
0x48: {  	_ =	swait.ge [sflag:s20], $0x6400  }
0x49: {  	[sflag:s20] =	ssyncset.done $0x0  }
0x4a: {  	s22 =	simm.s32 $0x4B0;
	[sflag:s20] =	ssyncadd.s32 $0xFFFF9C00  }
0x4b: {  	[tilespmem:s21], [sflag:$0x2] =	stream.indirect.gather [hbm4b:s3+s12], $0x40, s22, s12, $0xb8;
	[tilespmem:$0xFA00] =	vst v63  }
0x4c: {  	s24 =	simm.s32 $0x530  }
0x4d: {  	[tilespmem:s23], [sflag:$0x2] =	stream.indirect.gather [hbm4b:s3+s14], $0x40, s24, s14, $0xb8;
	[tilespmem:$0xFA00] =	vst v63  }
0x4e: {  	s16 =	simm.s32 $0x578  }
0x4f: {  	[tilespmem:s25], [sflag:$0x2] =	stream.indirect.gather [hbm4b:s3+s12], $0x40, s16, s12, $0xb8;
	[tilespmem:$0xFA00] =	vst v63  }
0x50: {  	s22 =	simm.s32 $0x5F8  }
0x51: {  	[tilespmem:s28], [sflag:$0x2] =	stream.indirect.gather [hbm4b:s3+s14], $0x40, s22, s14, $0xb8;
	[tilespmem:$0xFA00] =	vst v63  }
0x52: {  	_ =	swait.ge [sflag:s29], $0x2000  }
0x53: {  	[sflag:s29] =	ssyncset.done $0x0  }
0x54: {  	[sflag:s29] =	ssyncadd.s32 $0xFFFFE000  }
0x55: {  	_ =	swait.ge [sflag:s29], $0x1200  }
0x56: {  	[sflag:s29] =	ssyncset.done $0x0  }
0x57: {  	[sflag:s29] =	ssyncadd.s32 $0xFFFFEE00  }
0x58: {  	_ =	swait.ge [sflag:s29], $0x2000  }
0x59: {  	[sflag:s29] =	ssyncset.done $0x0  }
0x5a: {  	[sflag:s29] =	ssyncadd.s32 $0xFFFFE000  }
0x5b: {  	_ =	swait.ge [sflag:s29], $0x1200  }
0x5c: {  	[sflag:s29] =	ssyncset.done $0x0  }
0x5d: {  	[sflag:s29] =	ssyncadd.s32 $0xFFFFEE00  }
0x5e: {  	[hbm4b:s10+s2] =	stream.linear.scatter [tilespmem:s13], [sflag:$0x3], $0x6400, $0x38;
	[tilespmem:$0xFA00] =	vst v63  }
0x5f: {  	_ =	swait.ge [sflag:s30], $0x6400  }
0x60: {  	[sflag:s30] =	ssyncset.done $0x0  }
0x61: {  	s24 =	simm.s32 $0x640;
	[sflag:s30] =	ssyncadd.s32 $0xFFFF9C00  }
0x62: {  	[tilespmem:s13], [sflag:$0x1] =	stream.indirect.gather [hbm4b:s3+s12], $0x40, s24, s12, $0xb8;
	[tilespmem:$0xFA00] =	vst v63  }
0x63: {  	s16 =	simm.s32 $0x6C0  }
0x64: {  	[tilespmem:s15], [sflag:$0x1] =	stream.indirect.gather [hbm4b:s3+s14], $0x40, s16, s14, $0xb8;
	[tilespmem:$0xFA00] =	vst v63  }
0x65: {  	s22 =	simm.s32 $0x708  }
0x66: {  	[tilespmem:s17], [sflag:$0x1] =	stream.indirect.gather [hbm4b:s3+s12], $0x40, s22, s12, $0xb8;
	[tilespmem:$0xFA00] =	vst v63  }
0x67: {  	s24 =	simm.s32 $0x788  }
0x68: {  	[tilespmem:s19], [sflag:$0x1] =	stream.indirect.gather [hbm4b:s3+s14], $0x40, s24, s14, $0xb8;
	[tilespmem:$0xFA00] =	vst v63  }
0x69: {  	_ =	swait.ge [sflag:s18], $0x2000  }
0x6a: {  	[sflag:s18] =	ssyncset.done $0x0  }
0x6b: {  	[sflag:s18] =	ssyncadd.s32 $0xFFFFE000  }
0x6c: {  	_ =	swait.ge [sflag:s18], $0x1200  }
0x6d: {  	[sflag:s18] =	ssyncset.done $0x0  }
0x6e: {  	[sflag:s18] =	ssyncadd.s32 $0xFFFFEE00  }
0x6f: {  	_ =	swait.ge [sflag:s18], $0x2000  }
0x70: {  	[sflag:s18] =	ssyncset.done $0x0  }
0x71: {  	[sflag:s18] =	ssyncadd.s32 $0xFFFFE000  }
0x72: {  	_ =	swait.ge [sflag:s18], $0x1200  }
0x73: {  	s0 =	simm.s32 $0xC80;
	[sflag:s18] =	ssyncset.done $0x0  }
0x74: {  	s16 =	sadd.s32 $0x1900, s10;
	s22 =	sadd.s32 $0xC80, s10;
	[sflag:s18] =	ssyncadd.s32 $0xFFFFEE00  }
.LBB2_2:
0x75: {  	[hbm4b:s22+s2] =	stream.linear.scatter [tilespmem:s21], [sflag:$0x4], $0x6400, $0x38;
	[tilespmem:$0xFA00] =	vst v63  }
0x76: {  	s22 =	smov.u32 s0  }
0x77: {  	p0 =	sne.s32 s0, $0xA280;
	s0 =	sadd.s32 $0xC80, s0;
	_ =	swait.ge [sflag:s20], $0x6400  }
0x78: {  	s22 =	sshra.s32 s22, $0x2;
	[sflag:s20] =	ssyncset.done $0x0  }
0x79: {  	s24 =	sadd.s32 $0x4B0, s22;
	[sflag:s20] =	ssyncadd.s32 $0xFFFF9C00  }
0x7a: {  	[tilespmem:s21], [sflag:$0x2] =	stream.indirect.gather [hbm4b:s3+s12], $0x40, s24, s12, $0xb8;
	[tilespmem:$0xFA00] =	vst v63  }
0x7b: {  	s24 =	sadd.s32 $0x530, s22  }
0x7c: {  	[tilespmem:s23], [sflag:$0x2] =	stream.indirect.gather [hbm4b:s3+s14], $0x40, s24, s14, $0xb8;
	[tilespmem:$0xFA00] =	vst v63  }
0x7d: {  	s24 =	sadd.s32 $0x578, s22  }
0x7e: {  	[tilespmem:s25], [sflag:$0x2] =	stream.indirect.gather [hbm4b:s3+s12], $0x40, s24, s12, $0xb8;
	[tilespmem:$0xFA00] =	vst v63  }
0x7f: {  	s24 =	sadd.s32 $0x5F8, s22  }
0x80: {  	[tilespmem:s28], [sflag:$0x2] =	stream.indirect.gather [hbm4b:s3+s14], $0x40, s24, s14, $0xb8;
	[tilespmem:$0xFA00] =	vst v63  }
0x81: {  	_ =	swait.ge [sflag:s29], $0x2000  }
0x82: {  	[sflag:s29] =	ssyncset.done $0x0  }
0x83: {  	[sflag:s29] =	ssyncadd.s32 $0xFFFFE000  }
0x84: {  	_ =	swait.ge [sflag:s29], $0x1200  }
0x85: {  	[sflag:s29] =	ssyncset.done $0x0  }
0x86: {  	[sflag:s29] =	ssyncadd.s32 $0xFFFFEE00  }
0x87: {  	_ =	swait.ge [sflag:s29], $0x2000  }
0x88: {  	[sflag:s29] =	ssyncset.done $0x0  }
0x89: {  	[sflag:s29] =	ssyncadd.s32 $0xFFFFE000  }
0x8a: {  	_ =	swait.ge [sflag:s29], $0x1200  }
0x8b: {  	[sflag:s29] =	ssyncset.done $0x0  }
0x8c: {  	[sflag:s29] =	ssyncadd.s32 $0xFFFFEE00  }
0x8d: {  	[hbm4b:s16+s2] =	stream.linear.scatter [tilespmem:s13], [sflag:$0x3], $0x6400, $0x38;
	[tilespmem:$0xFA00] =	vst v63  }
0x8e: {  	_ =	swait.ge [sflag:s30], $0x6400  }
0x8f: {  	[sflag:s30] =	ssyncset.done $0x0  }
0x90: {  	s24 =	sadd.s32 $0x640, s22;
	[sflag:s30] =	ssyncadd.s32 $0xFFFF9C00  }
0x91: {  	[tilespmem:s13], [sflag:$0x1] =	stream.indirect.gather [hbm4b:s3+s12], $0x40, s24, s12, $0xb8;
	[tilespmem:$0xFA00] =	vst v63  }
0x92: {  	s24 =	sadd.s32 $0x6C0, s22  }
0x93: {  	[tilespmem:s15], [sflag:$0x1] =	stream.indirect.gather [hbm4b:s3+s14], $0x40, s24, s14, $0xb8;
	[tilespmem:$0xFA00] =	vst v63  }
0x94: {  	s24 =	sadd.s32 $0x708, s22  }
0x95: {  	[tilespmem:s17], [sflag:$0x1] =	stream.indirect.gather [hbm4b:s3+s12], $0x40, s24, s12, $0xb8;
	[tilespmem:$0xFA00] =	vst v63  }
0x96: {  	s22 =	sadd.s32 $0x788, s22  }
0x97: {  	[tilespmem:s19], [sflag:$0x1] =	stream.indirect.gather [hbm4b:s3+s14], $0x40, s22, s14, $0xb8;
	[tilespmem:$0xFA00] =	vst v63  }
0x98: {  	_ =	swait.ge [sflag:s18], $0x2000  }
0x99: {  	[sflag:s18] =	ssyncset.done $0x0  }
0x9a: {  	[sflag:s18] =	ssyncadd.s32 $0xFFFFE000  }
0x9b: {  	_ =	swait.ge [sflag:s18], $0x1200  }
0x9c: {  	[sflag:s18] =	ssyncset.done $0x0  }
0x9d: {  	[sflag:s18] =	ssyncadd.s32 $0xFFFFEE00  }
0x9e: {  	_ =	swait.ge [sflag:s18], $0x2000  }
.Ltmp0:
0x9f: {  	[sflag:s18] =	ssyncset.done $0x0;
	(pc) =	sbr.rel @p0 .LBB2_2-.Ltmp0, $4  }
0xa0: {  	[sflag:s18] =	ssyncadd.s32 $0xFFFFE000  }
0xa1: {  	_ =	swait.ge [sflag:s18], $0x1200  }
0xa2: {  	[sflag:s18] =	ssyncset.done $0x0  }
0xa3: {  	s22 =	sadd.s32 $0xC80, s16;
	s16 =	sadd.s32 $0x1900, s16;
	[sflag:s18] =	ssyncadd.s32 $0xFFFFEE00  }
0xa4: {  	[hbm4b:s22+s2] =	stream.linear.scatter [tilespmem:s21], [sflag:$0x4], $0x6400, $0x38;
	[tilespmem:$0xFA00] =	vst v63  }
0xa5: {  	_ =	swait.ge [sflag:s20], $0x6400  }
0xa6: {  	[sflag:s20] =	ssyncset.done $0x0  }
0xa7: {  	s0 =	simm.s32 $0x3070;
	[sflag:s20] =	ssyncadd.s32 $0xFFFF9C00  }
0xa8: {  	[tilespmem:s21], [sflag:$0x2] =	stream.indirect.gather [hbm4b:s3+s12], $0x40, s0, s12, $0xb8;
	[tilespmem:$0xFA00] =	vst v63  }
0xa9: {  	s24 =	simm.s32 $0x30F0  }
0xaa: {  	[tilespmem:s23], [sflag:$0x2] =	stream.indirect.gather [hbm4b:s3+s14], $0x40, s24, s14, $0xb8;
	[tilespmem:$0xFA00] =	vst v63  }
0xab: {  	_ = 	snop  }
0xac: {  	[tilespmem:s25], [sflag:$0x2] =	stream.indirect.gather [hbm4b:s3+s12], $0x40, s26, s12, $0xb8;
	[tilespmem:$0xFA00] =	vst v63  }
0xad: {  	_ = 	snop  }
0xae: {  	[tilespmem:s28], [sflag:$0x2] =	stream.indirect.gather [hbm4b:s3+s14], $0x40, s31, s14, $0xb8;
	[tilespmem:$0xFA00] =	vst v63  }
0xaf: {  	_ =	swait.ge [sflag:s29], $0x2000  }
0xb0: {  	[sflag:s29] =	ssyncset.done $0x0  }
0xb1: {  	[sflag:s29] =	ssyncadd.s32 $0xFFFFE000  }
0xb2: {  	_ =	swait.ge [sflag:s29], $0x1200  }
0xb3: {  	[sflag:s29] =	ssyncset.done $0x0  }
0xb4: {  	[sflag:s29] =	ssyncadd.s32 $0xFFFFEE00  }
0xb5: {  	_ =	swait.ge [sflag:s29], $0x2000  }
0xb6: {  	[sflag:s29] =	ssyncset.done $0x0  }
0xb7: {  	[sflag:s29] =	ssyncadd.s32 $0xFFFFE000  }
0xb8: {  	_ =	swait.ge [sflag:s29], $0x1200  }
0xb9: {  	[sflag:s29] =	ssyncset.done $0x0  }
0xba: {  	[sflag:s29] =	ssyncadd.s32 $0xFFFFEE00  }
0xbb: {  	[hbm4b:s8+s2] =	stream.linear.scatter [tilespmem:s13], [sflag:$0x3], $0x6400, $0x38;
	[tilespmem:$0xFA00] =	vst v63  }
0xbc: {  	_ =	swait.ge [sflag:s18], $0x2000  }
0xbd: {  	[sflag:s18] =	ssyncset.done $0x0  }
0xbe: {  	[sflag:s18] =	ssyncadd.s32 $0xFFFFE000  }
0xbf: {  	_ =	swait.ge [sflag:s18], $0x1200  }
0xc0: {  	[sflag:s18] =	ssyncset.done $0x0  }
0xc1: {  	[sflag:s18] =	ssyncadd.s32 $0xFFFFEE00  }
0xc2: {  	_ =	swait.ge [sflag:s18], $0x2000  }
0xc3: {  	[sflag:s18] =	ssyncset.done $0x0  }
0xc4: {  	[sflag:s18] =	ssyncadd.s32 $0xFFFFE000  }
0xc5: {  	_ =	swait.ge [sflag:s18], $0x1200  }
0xc6: {  	[sflag:s18] =	ssyncset.done $0x0  }
0xc7: {  	s1 =	sadd.s32 $0x1, s1;
	[sflag:s18] =	ssyncadd.s32 $0xFFFFEE00  }
0xc8: {  	[hbm4b:s9+s2] =	stream.linear.scatter [tilespmem:s21], [sflag:$0x4], $0x6400, $0x38;
	[tilespmem:$0xFA00] =	vst v63  }
0xc9: {  	p0 =	sne.s32 s1, s6;
	_ =	swait.ge [sflag:s30], $0x6400  }
.Ltmp1:
0xca: {  	[sflag:s30] =	ssyncset.done $0x0;
	(pc) =	sbr.rel @p0 .LBB2_1-.Ltmp1, $4  }
0xcb: {  	[sflag:s30] =	ssyncadd.s32 $0xFFFF9C00  }
0xcc: {  	_ =	swait.ge [sflag:s20], $0x6400  }
0xcd: {  	[sflag:s20] =	ssyncset.done $0x0  }
0xce: {  	[sflag:s20] =	ssyncadd.s32 $0xFFFF9C00  }
0xcf: {  	_ =	sfence.sel $0x180000  }
0xd0: {  	[bflag:$0x0] =	sbarrier.arrive $0xFFFF  }
0xd1: {  	_ =	strace $0x9000004A  }
0xd2: {  	s0 =	stileid.u32;
	[bflag:$0x2] =	sbarrier.arrive $0xFFFF  }
0xd3: {  	p0 =	sne.s32 s0, $0x0;
	s0 =	rddreg [dreg:$0x1]  }
0xd4: {  	s0 =	sadd.s32 @!p0 $0x100000, s0  }
0xd5: {  	[sflag:s0] =	ssyncadd.tile.s32 @!p0 $0x1;
	_ =	shalt  }
.Lfunc_end2:
_tile_overlayer_lowered:
.L_overlay_start_2:
0xd6: {  	(tag) =	ssettag $0x2  }
0xd7: {  	s0 =	rddreg [dreg:$0x0];
	s2 =	stileid.u32  }
0xd8: {  	s1 =	rddreg [dreg:$0x1];
	p0 =	sne.s32 s2, $0x0  }
0xd9: {  	s3 =	rddreg [dreg:$0x2];
	[bflag:$0x3] =	sbarrier.arrive $0xFFFF;
	s2 =	simm.s32 @!p0 $0x1C05  }
0xda: {  	[timem:s3], [sflag:s2] =	dma.local @!p0 [hbm:s0], s1  }
0xdb: {  	s0 =	simm.s32 @!p0 $0x5  }
0xdc: {  	_ =	swait.ge @!p0 [sflag:s0], s1  }
0xdd: {  	s1 =	ssub.s32 @!p0 $0x0, s1;
	[sflag:s0] =	ssyncset.done @!p0 $0x0  }
0xde: {  	[sflag:s0] =	ssyncadd.s32 @!p0 s1  }
0xdf: {  	[bflag:$0x3] =	sbarrier.arrive $0xFFFF  }
0xe0: {  	_ =	shalt  }

// kernel: kernel.7.cloned.1.call-start
scs
__scs_entry_jumppad:
0x0: {  	(pc) =	sbr.rel $0x88, $3  }
0x1: {  	(tag) =	ssettag $0x0;
	lr =	simm.s32 $0x1  }
0x2: {  	[smem:$0x3F9F] =	sst lr;
	_ =	strace $0xD0000000  }
0x3: {  	_ = 	snop  }
0x4: {  	_ = 	snop  }
0x5: {  	_ = 	snop  }
0x6: {  	_ = 	snop  }
0x7: {  	_ = 	snop  }
__scs_overlays_trampoline_lowered:
0x8: {  	[smem:$0x3FAE] =	sst s0  }
0x9: {  	[smem:$0x3FAF] =	sst s1  }
0xa: {  	[smem:$0x3FB0] =	sst s2  }
0xb: {  	[smem:$0x3FB1] =	sst s3  }
0xc: {  	[smem:$0x3FB2] =	sst s4  }
0xd: {  	[smem:$0x3FB3] =	sst s5  }
0xe: {  	[smem:$0x3FB4] =	sst s6  }
0xf: {  	[smem:$0x3FB5] =	sst s7  }
0x10: {  	[smem:$0x3FB6] =	sst s8  }
0x11: {  	[smem:$0x3FB7] =	sst s9;
	s0 =	simm.s32 @!p0 $0x0  }
0x12: {  	s1 =	sld [smem:$0x3F9D];
	s0 =	simm.s32 @p0 $0x1  }
0x13: {  	[smem:$0x3FB8] =	sst s0;
	s0 =	simm.s32 @!p1 $0x0  }
0x14: {  	s2 =	sld [smem:$0x3F9C];
	s0 =	simm.s32 @p1 $0x1  }
0x15: {  	[smem:$0x3FB9] =	sst s0;
	s0 =	simm.s32 @!p2 $0x0  }
0x16: {  	s3 =	sld [smem:$0x3FDB];
	s0 =	simm.s32 @p2 $0x1  }
0x17: {  	s4 =	simm.s32 $0x1BF5;
	[smem:$0x3FBB] =	sst s0  }
0x18: {  	s0 =	sld [smem:$0x3F9E];
	_ =	swait.ge [sflag:s4], $0x0  }
0x19: {  	s7 =	sld [smem:$0x3F9F]  }
0x1a: {  	s8 =	sadd.s32 $0xFFFFE003, lr  }
0x1b: {  	s9 =	sadd.s32 $0xFFFFFEF7, lr;
	s5 =	simm.s32 $0xFFFFFFFF;
	p2 =	slt.u32 s8, $0xFFFFF086  }
0x1c: {  	p1 =	slt.u32 s9, $0xF7A;
	s5 =	simm.s32 @!p2 $0x0  }
0x1d: {  	s5 =	simm.s32 @p1 $0x1;
	p0 =	seq.s32 s7, s2  }
0x1e: {  	s7 =	smul.u32 @!p0 $0xF7A, s2;
	p2 =	seq.s32 @!p0 s5, $0x0  }
0x1f: {  	s9 =	smul.u32 $0xF7A, s1;
	s8 =	simm.s32 @!p0 $0x1BF5;
	p2 =	por !p2, p0  }
0x20: {  	[sflag:s8] =	ssyncset.s32 @!p0 $0xFFFFF086;
	s6 =	sadd.s32 @!p0 s3, s7;
	s7 =	simm.s32 @!p0 $0x108  }
0x21: {  	s3 =	sadd.s32 s3, s9;
	s6 =	sadd.s32 @!p0 $0x88, s6;
	s7 =	simm.s32 @p2 $0x1082  }
0x22: {  	[simem:s7], [sflag:s8] =	dma.local @!p0 [hbm:s6], $0xF7A  }
0x23: {  	s9 =	sor.u32 $0xD0000000, s2;
	s6 =	simm.s32 $0x108;
	_ =	swait.ge @!p0 [sflag:s8], $0x0  }
0x24: {  	s3 =	sadd.s32 $0x88, s3;
	s6 =	simm.s32 @!p1 $0x1082;
	[sflag:s4] =	ssyncset.s32 $0xFFFFF086  }
0x25: {  	[simem:s6], [sflag:s4] =	dma.local [hbm:s3], $0xF7A  }
0x26: {  	[smem:$0x3F9F] =	sst s1;
	(tag) =	ssettag s2;
	_ =	strace s9  }
0x27: {  	s1 =	sld [smem:$0x3FAF]  }
0x28: {  	s2 =	sld [smem:$0x3FB0]  }
0x29: {  	s4 =	sld [smem:$0x3FB2]  }
0x2a: {  	p0 =	seq.s32 s5, $0x0;
	s5 =	sld [smem:$0x3FB3]  }
0x2b: {  	s6 =	sld [smem:$0x3FB4]  }
0x2c: {  	s7 =	sld [smem:$0x3FB5]  }
0x2d: {  	s3 =	simm.s32 $0x108;
	s8 =	sld [smem:$0x3FB6]  }
0x2e: {  	s3 =	simm.s32 @!p0 $0x1082;
	s9 =	sld [smem:$0x3FB7]  }
0x2f: {  	lr =	sadd.s32 s0, s3;
	s0 =	sld [smem:$0x3FAE]  }
0x30: {  	s3 =	sld [smem:$0x3FB1]  }
0x31: {  	[smem:$0x3FBA] =	sst s10  }
0x32: {  	s10 =	sld [smem:$0x3FB8];
	_ =	sdelay $0x3  }
0x33: {  	p0 =	seq.s32 s10, $0x1;
	s10 =	sld [smem:$0x3FBA];
	_ =	sdelay $0x3  }
0x34: {  	[smem:$0x3FBA] =	sst s10  }
0x35: {  	s10 =	sld [smem:$0x3FB9];
	_ =	sdelay $0x3  }
0x36: {  	p1 =	seq.s32 s10, $0x1;
	s10 =	sld [smem:$0x3FBA];
	_ =	sdelay $0x3  }
0x37: {  	[smem:$0x3FBA] =	sst s10  }
0x38: {  	s10 =	sld [smem:$0x3FBB]  }
0x39: {  	_ = 	snop;
	(pc) =	sbr.ind lr, $3  }
0x3a: {  	_ = 	snop  }
0x3b: {  	_ = 	snop  }
0x3c: {  	p2 =	seq.s32 s10, $0x1;
	s10 =	sld [smem:$0x3FBA]  }
0x3d: {  	_ =	shalt  }
0x3e: {  	_ =	shalt  }
0x3f: {  	_ =	shalt  }
0x40: {  	_ =	shalt  }
0x41: {  	_ =	shalt  }
0x42: {  	_ =	shalt  }
0x43: {  	_ =	shalt  }
0x44: {  	_ =	shalt  }
0x45: {  	_ =	shalt  }
0x46: {  	_ =	shalt  }
0x47: {  	_ =	shalt  }
0x48: {  	_ =	shalt  }
0x49: {  	_ =	shalt  }
0x4a: {  	_ =	shalt  }
0x4b: {  	_ =	shalt  }
0x4c: {  	_ =	shalt  }
0x4d: {  	_ =	shalt  }
0x4e: {  	_ =	shalt  }
0x4f: {  	_ =	shalt  }
0x50: {  	_ =	shalt  }
0x51: {  	_ =	shalt  }
0x52: {  	_ =	shalt  }
0x53: {  	_ =	shalt  }
0x54: {  	_ =	shalt  }
0x55: {  	_ =	shalt  }
0x56: {  	_ =	shalt  }
0x57: {  	_ =	shalt  }
0x58: {  	_ =	shalt  }
0x59: {  	_ =	shalt  }
0x5a: {  	_ =	shalt  }
0x5b: {  	_ =	shalt  }
0x5c: {  	_ =	shalt  }
0x5d: {  	_ =	shalt  }
0x5e: {  	_ =	shalt  }
0x5f: {  	_ =	shalt  }
0x60: {  	_ =	shalt  }
0x61: {  	_ =	shalt  }
0x62: {  	_ =	shalt  }
0x63: {  	_ =	shalt  }
0x64: {  	_ =	shalt  }
0x65: {  	_ =	shalt  }
0x66: {  	_ =	shalt  }
0x67: {  	_ =	shalt  }
0x68: {  	_ =	shalt  }
0x69: {  	_ =	shalt  }
0x6a: {  	_ =	shalt  }
0x6b: {  	_ =	shalt  }
0x6c: {  	_ =	shalt  }
0x6d: {  	_ =	shalt  }
0x6e: {  	_ =	shalt  }
0x6f: {  	_ =	shalt  }
0x70: {  	_ =	shalt  }
0x71: {  	_ =	shalt  }
0x72: {  	_ =	shalt  }
0x73: {  	_ =	shalt  }
0x74: {  	_ =	shalt  }
0x75: {  	_ =	shalt  }
0x76: {  	_ =	shalt  }
0x77: {  	_ =	shalt  }
0x78: {  	_ =	shalt  }
0x79: {  	_ =	shalt  }
0x7a: {  	_ =	shalt  }
0x7b: {  	_ =	shalt  }
0x7c: {  	_ =	shalt  }
0x7d: {  	_ =	shalt  }
0x7e: {  	_ =	shalt  }
0x7f: {  	_ =	shalt  }
0x80: {  	_ =	shalt  }
0x81: {  	_ =	shalt  }
0x82: {  	_ =	shalt  }
0x83: {  	_ =	shalt  }
0x84: {  	_ =	shalt  }
0x85: {  	_ =	shalt  }
0x86: {  	_ =	shalt  }
0x87: {  	_ =	shalt  }
.Lfunc_end0:
.L_simem_size_0:
called_computation.2_lowered:
.L_overlay_start_0:
0x88: {  	s2 =	sld [smem:$0x3FD9]  }
0x89: {  	s3 =	sld [smem:$0x3FFE];
	_ =	sdelay $0x1  }
0x8a: {  	s1 =	srdreg.scid  }
0x8b: {  	s0 =	sand.u32 $0x1, s1  }
0x8c: {  	s16 =	sshll.u32 s0, $0xA;
	s2 =	sadd.s32 s3, s2  }
0x8d: {  	s2 =	sadd.s32 s2, s16  }
0x8e: {  	[smem:$0x3FC6] =	sst s2  }
0x8f: {  	_ = 	snop  }
0x90: {  	(tm) =	ssettm $0x1  }
0x91: {  	s17 =	sld [smem:$0x3FFB];
	_ =	sdelay $0x3  }
0x92: {  	_ =	strace s17  }
0x93: {  	s2 =	sld [smem:$0x3FFC];
	_ =	sdelay $0x3  }
0x94: {  	_ =	strace s2  }
0x95: {  	s2 =	sld [smem:$0x3FFD];
	_ =	sdelay $0x3  }
0x96: {  	_ =	strace s2  }
0x97: {  	_ =	strace $0x8FFFFFFF  }
0x98: {  	s18 =	sld [smem:$0x3FDB];
	_ =	sdelay $0x1  }
0x99: {  	s19 =	simm.s32 $_scs_section_size  }
0x9a: {  	s4 =	simm.s32 $_size__tile_overlayer_lowered;
	s5 =	simm.s32 $_tile_overlayer_lowered  }
0x9b: {  	s22 =	simm.s32 $0x1BFF;
	s21 =	sshll.u32 s5, $0x1;
	s2 =	sadd.s32 s19, s18  }
0x9c: {  	s6 =	simm.s32 $0x0;
	s20 =	sshll.u32 s4, $0x1;
	s4 =	sadd.s32 s21, s2  }
0x9d: {  	[timem:s6], [sflag:s22] =	dma.local [hbm:s4], s20  }
0x9e: {  	_ =	swait.ge [sflag:s22], s20  }
0x9f: {  	s3 =	ssub.s32 $0x0, s20;
	[sflag:s22] =	ssyncset.done $0x0  }
0xa0: {  	[sflag:s22] =	ssyncadd.s32 s3;
	_ =	sdelay $0x1  }
0xa1: {  	s23 =	simm.s32 $0x1B8B  }
0xa2: {  	_ =	swait.ge [sflag:s23], $0x1  }
0xa3: {  	[sflag:s23] =	ssyncset.done $0x0  }
0xa4: {  	s25 =	simm.s32 $0x1B8E;
	s24 =	sld [smem:$0x3FFE];
	[sflag:s23] =	ssyncadd.s32 $0xFFFFFFFF  }
0xa5: {  	s26 =	simm.s32 $execute0_lowered;
	[smem:$0x3FD2] =	sst s25  }
0xa6: {  	s4 =	sshll.u32 s26, $0x1;
	_ =	strace $0x80000046;
	[dreg:$0x1] =	wrdreg $0xFFFFFFFF  }
0xa7: {  	s28 =	simm.s32 $_size_execute0_lowered;
	s2 =	sadd.s32 s2, s4;
	[dreg:$0x0] =	wrdreg $0x0  }
0xa8: {  	s4 =	sshll.u32 s28, $0x1;
	[dreg:$0x2] =	wrdreg s2  }
0xa9: {  	[dreg:$0x3] =	wrdreg s4  }
0xaa: {  	[dreg:$0x4] =	wrdreg $0xC0  }
0xab: {  	_ =	task [dreg:s6], $0x5FFFF  }
0xac: {  	[dreg:$0x1] =	wrdreg $0xFFFFFFFF  }
0xad: {  	[dreg:$0x0] =	wrdreg $0x60  }
0xae: {  	[dreg:$0x2] =	wrdreg s24  }
0xaf: {  	[dreg:$0x3] =	wrdreg $0xA  }
0xb0: {  	_ =	task.clear_ibuf [dreg:s6], $0x4FFFF;
	_ =	strace $0x90000046  }
0xb1: {  	s29 =	simm.s32 $0xA;
	_ =	strace $0x80000048  }
0xb2: {  	_ =	swait.ge [sflag:s29], $0x1  }
0xb3: {  	[sflag:s29] =	ssyncadd.s32 $0xFFFFFFFF  }
0xb4: {  	_ =	strace $0x90000048  }
0xb5: {  	_ =	sfence  }
0xb6: {  	s30 =	sld [smem:$0x0];
	_ =	sdelay $0x2  }
0xb7: {  	s31 =	sshll.u32 s1, $0xD;
	s1 =	sshrl.u32 s1, $0x2  }
0xb8: {  	s3 =	sand.u32 $0x4000, s31;
	s1 =	sadd.s32 s1, s30  }
0xb9: {  	s0 =	sor.u32 s3, s0;
	s1 =	sshll.u32 s1, $0x11  }
0xba: {  	s0 =	sor.u32 s1, s0  }
0xbb: {  	s0 =	sadd.s32 $0x8F2B, s0  }
0xbc: {  	[sflag:s0] =	ssyncadd.remote.s32 $0x1  }
0xbd: {  	_ =	sfence.sel $0xFFFF  }
0xbe: {  	[dreg:$0x0] =	wrdreg $0xFFFFFFFF;
	(pc) =	sbr.abs _section_cstart, $3  }
0xbf: {  	[dreg:$0x1] =	wrdreg $0xFFFFFFFF  }
0xc0: {  	_ =	task.clear_ibuf [dreg:s6], $0x2FFFF;
	_ =	strace $0x9FFFFFFF  }
0xc1: {  	(tm) =	ssettm $0x7FFFFFFF  }
tec
execute0_lowered:
.L_overlay_start_1:
0x0: {  	(tag) =	ssettag $0x1  }
0x1: {  	s0 =	srdreg.scid  }
0x2: {  	s8 =	stileid.u32;
	s1 =	rddreg [dreg:$0x0];
	s2 =	simm.s32 $0x0  }
0x3: {  	s11 =	simm.s32 $0x5;
	s12 =	simm.s32 $0x80;
	s13 =	simm.s32 $0x3200  }
0x4: {  	s14 =	simm.s32 $0x48;
	s15 =	simm.s32 $0x5200;
	s17 =	simm.s32 $0x6400  }
0x5: {  	s19 =	simm.s32 $0x8400;
	s21 =	simm.s32 $0x9600;
	s23 =	simm.s32 $0xB600  }
0x6: {  	s25 =	simm.s32 $0xC800;
	s28 =	simm.s32 $0xE800;
	s29 =	simm.s32 $0x1  }
0x7: {  	s30 =	simm.s32 $0x3;
	s18 =	simm.s32 $0x2;
	s20 =	simm.s32 $0x4  }
0x8: {  	s0 =	sand.u32 $0x1, s0;
	s3 =	sshll.u32 s8, $0x1;
	s8 =	smul.u32 $0x32000, s8  }
0x9: {  	s3 =	sor.u32 s0, s3;
	s5 =	ssub.s32 $0x2, s0;
	s0 =	smul.u32 $0x19000, s0  }
0xa: {  	s26 =	simm.s32 $0x3138;
	[smem:$0x7FF] =	sst s2;
	s4 =	smul.u32 $0x640, s3  }
0xb: {  	s31 =	simm.s32 $0x31B8;
	_ =	strace $0x80000047;
	s6 =	smul.u32 $0x19000, s3  }
0xc: {  	s3 =	sadd.s32 $0xF4FC00, s1;
	s7 =	sshrl.u32 s5, $0x1;
	s4 =	sadd.s32 s4, s1  }
0xd: {  	s7 =	ssub.s32 s5, s7;
	s1 =	sadd.s32 $0xD800, s1;
	s4 =	sadd.s32 $0x1000, s4  }
0xe: {  	s5 =	sadd.s32 s1, s6;
	s1 =	sadd.s32 s8, s1;
	s6 =	smax.u32 s7, $0x1  }
0xf: {  	s7 =	sadd.s32 $0xC80, s5;
	s0 =	sadd.s32 s0, s1;
	s8 =	sadd.s32 $0x17700, s5  }
0x10: {  	s9 =	sadd.s32 $0x18380, s5;
	s1 =	simm.s32 $0x0;
	s10 =	sadd.s32 $0x1900, s0  }
.LBB2_1:
0x11: {  	[tilespmem:s2], [sflag:$0x5] =	stream.linear.gather [hbm4b:s4+s2], $0x3200, $0x38;
	[tilespmem:$0xFA00] =	vst v63  }
0x12: {  	_ =	swait.ge [sflag:s11], $0x3200  }
0x13: {  	[sflag:s11] =	ssyncset.done $0x0  }
0x14: {  	[sflag:s11] =	ssyncadd.s32 $0xFFFFCE00  }
0x15: {  	[tilespmem:s13], [sflag:$0x1] =	stream.indirect.gather [hbm4b:s3+s12], $0x40, s2, s12, $0xb8;
	[tilespmem:$0xFA00] =	vst v63  }
0x16: {  	_ = 	snop  }
0x17: {  	[tilespmem:s15], [sflag:$0x1] =	stream.indirect.gather [hbm4b:s3+s14], $0x40, s12, s14, $0xb8;
	[tilespmem:$0xFA00] =	vst v63  }
0x18: {  	s0 =	simm.s32 $0xC8  }
0x19: {  	[tilespmem:s17], [sflag:$0x1] =	stream.indirect.gather [hbm4b:s3+s12], $0x40, s0, s12, $0xb8;
	[tilespmem:$0xFA00] =	vst v63  }
0x1a: {  	s22 =	simm.s32 $0x148  }
0x1b: {  	[tilespmem:s19], [sflag:$0x1] =	stream.indirect.gather [hbm4b:s3+s14], $0x40, s22, s14, $0xb8;
	[tilespmem:$0xFA00] =	vst v63  }
0x1c: {  	s24 =	simm.s32 $0x190  }
0x1d: {  	[tilespmem:s21], [sflag:$0x2] =	stream.indirect.gather [hbm4b:s3+s12], $0x40, s24, s12, $0xb8;
	[tilespmem:$0xFA00] =	vst v63  }
0x1e: {  	s16 =	simm.s32 $0x210  }
0x1f: {  	[tilespmem:s23], [sflag:$0x2] =	stream.indirect.gather [hbm4b:s3+s14], $0x40, s16, s14, $0xb8;
	[tilespmem:$0xFA00] =	vst v63  }
0x20: {  	s22 =	simm.s32 $0x258  }
0x21: {  	[tilespmem:s25], [sflag:$0x2] =	stream.indirect.gather [hbm4b:s3+s12], $0x40, s22, s12, $0xb8;
	[tilespmem:$0xFA00] =	vst v63  }
0x22: {  	s24 =	simm.s32 $0x2D8  }
0x23: {  	[tilespmem:s28], [sflag:$0x2] =	stream.indirect.gather [hbm4b:s3+s14], $0x40, s24, s14, $0xb8;
	[tilespmem:$0xFA00] =	vst v63  }
0x24: {  	_ =	swait.ge [sflag:s29], $0x2000  }
0x25: {  	[sflag:s29] =	ssyncset.done $0x0  }
0x26: {  	[sflag:s29] =	ssyncadd.s32 $0xFFFFE000  }
0x27: {  	_ =	swait.ge [sflag:s29], $0x1200  }
0x28: {  	[sflag:s29] =	ssyncset.done $0x0  }
0x29: {  	[sflag:s29] =	ssyncadd.s32 $0xFFFFEE00  }
0x2a: {  	_ =	swait.ge [sflag:s29], $0x2000  }
0x2b: {  	[sflag:s29] =	ssyncset.done $0x0  }
0x2c: {  	[sflag:s29] =	ssyncadd.s32 $0xFFFFE000  }
0x2d: {  	_ =	swait.ge [sflag:s29], $0x1200  }
0x2e: {  	[sflag:s29] =	ssyncset.done $0x0  }
0x2f: {  	[sflag:s29] =	ssyncadd.s32 $0xFFFFEE00  }
0x30: {  	[hbm4b:s5+s2] =	stream.linear.scatter [tilespmem:s13], [sflag:$0x3], $0x6400, $0x38;
	[tilespmem:$0xFA00] =	vst v63  }
0x31: {  	_ =	swait.ge [sflag:s30], $0x6400  }
0x32: {  	[sflag:s30] =	ssyncset.done $0x0  }
0x33: {  	s16 =	simm.s32 $0x320;
	[sflag:s30] =	ssyncadd.s32 $0xFFFF9C00  }
0x34: {  	[tilespmem:s13], [sflag:$0x1] =	stream.indirect.gather [hbm4b:s3+s12], $0x40, s16, s12, $0xb8;
	[tilespmem:$0xFA00] =	vst v63  }
0x35: {  	s22 =	simm.s32 $0x3A0  }
0x36: {  	[tilespmem:s15], [sflag:$0x1] =	stream.indirect.gather [hbm4b:s3+s14], $0x40, s22, s14, $0xb8;
	[tilespmem:$0xFA00] =	vst v63  }
0x37: {  	s24 =	simm.s32 $0x3E8  }
0x38: {  	[tilespmem:s17], [sflag:$0x1] =	stream.indirect.gather [hbm4b:s3+s12], $0x40, s24, s12, $0xb8;
	[tilespmem:$0xFA00] =	vst v63  }
0x39: {  	s16 =	simm.s32 $0x468  }
0x3a: {  	[tilespmem:s19], [sflag:$0x1] =	stream.indirect.gather [hbm4b:s3+s14], $0x40, s16, s14, $0xb8;
	[tilespmem:$0xFA00] =	vst v63  }
0x3b: {  	_ =	swait.ge [sflag:s18], $0x2000  }
0x3c: {  	[sflag:s18] =	ssyncset.done $0x0  }
0x3d: {  	[sflag:s18] =	ssyncadd.s32 $0xFFFFE000  }
0x3e: {  	_ =	swait.ge [sflag:s18], $0x1200  }
0x3f: {  	[sflag:s18] =	ssyncset.done $0x0  }
0x40: {  	[sflag:s18] =	ssyncadd.s32 $0xFFFFEE00  }
0x41: {  	_ =	swait.ge [sflag:s18], $0x2000  }
0x42: {  	[sflag:s18] =	ssyncset.done $0x0  }
0x43: {  	[sflag:s18] =	ssyncadd.s32 $0xFFFFE000  }
0x44: {  	_ =	swait.ge [sflag:s18], $0x1200  }
0x45: {  	[sflag:s18] =	ssyncset.done $0x0  }
0x46: {  	[sflag:s18] =	ssyncadd.s32 $0xFFFFEE00  }
0x47: {  	[hbm4b:s7+s2] =	stream.linear.scatter [tilespmem:s21], [sflag:$0x4], $0x6400, $0x38;
	[tilespmem:$0xFA00] =	vst v63  }
0x48: {  	_ =	swait.ge [sflag:s20], $0x6400  }
0x49: {  	[sflag:s20] =	ssyncset.done $0x0  }
0x4a: {  	s22 =	simm.s32 $0x4B0;
	[sflag:s20] =	ssyncadd.s32 $0xFFFF9C00  }
0x4b: {  	[tilespmem:s21], [sflag:$0x2] =	stream.indirect.gather [hbm4b:s3+s12], $0x40, s22, s12, $0xb8;
	[tilespmem:$0xFA00] =	vst v63  }
0x4c: {  	s24 =	simm.s32 $0x530  }
0x4d: {  	[tilespmem:s23], [sflag:$0x2] =	stream.indirect.gather [hbm4b:s3+s14], $0x40, s24, s14, $0xb8;
	[tilespmem:$0xFA00] =	vst v63  }
0x4e: {  	s16 =	simm.s32 $0x578  }
0x4f: {  	[tilespmem:s25], [sflag:$0x2] =	stream.indirect.gather [hbm4b:s3+s12], $0x40, s16, s12, $0xb8;
	[tilespmem:$0xFA00] =	vst v63  }
0x50: {  	s22 =	simm.s32 $0x5F8  }
0x51: {  	[tilespmem:s28], [sflag:$0x2] =	stream.indirect.gather [hbm4b:s3+s14], $0x40, s22, s14, $0xb8;
	[tilespmem:$0xFA00] =	vst v63  }
0x52: {  	_ =	swait.ge [sflag:s29], $0x2000  }
0x53: {  	[sflag:s29] =	ssyncset.done $0x0  }
0x54: {  	[sflag:s29] =	ssyncadd.s32 $0xFFFFE000  }
0x55: {  	_ =	swait.ge [sflag:s29], $0x1200  }
0x56: {  	[sflag:s29] =	ssyncset.done $0x0  }
0x57: {  	[sflag:s29] =	ssyncadd.s32 $0xFFFFEE00  }
0x58: {  	_ =	swait.ge [sflag:s29], $0x2000  }
0x59: {  	[sflag:s29] =	ssyncset.done $0x0  }
0x5a: {  	[sflag:s29] =	ssyncadd.s32 $0xFFFFE000  }
0x5b: {  	_ =	swait.ge [sflag:s29], $0x1200  }
0x5c: {  	[sflag:s29] =	ssyncset.done $0x0  }
0x5d: {  	[sflag:s29] =	ssyncadd.s32 $0xFFFFEE00  }
0x5e: {  	[hbm4b:s10+s2] =	stream.linear.scatter [tilespmem:s13], [sflag:$0x3], $0x6400, $0x38;
	[tilespmem:$0xFA00] =	vst v63  }
0x5f: {  	_ =	swait.ge [sflag:s30], $0x6400  }
0x60: {  	[sflag:s30] =	ssyncset.done $0x0  }
0x61: {  	s24 =	simm.s32 $0x640;
	[sflag:s30] =	ssyncadd.s32 $0xFFFF9C00  }
0x62: {  	[tilespmem:s13], [sflag:$0x1] =	stream.indirect.gather [hbm4b:s3+s12], $0x40, s24, s12, $0xb8;
	[tilespmem:$0xFA00] =	vst v63  }
0x63: {  	s16 =	simm.s32 $0x6C0  }
0x64: {  	[tilespmem:s15], [sflag:$0x1] =	stream.indirect.gather [hbm4b:s3+s14], $0x40, s16, s14, $0xb8;
	[tilespmem:$0xFA00] =	vst v63  }
0x65: {  	s22 =	simm.s32 $0x708  }
0x66: {  	[tilespmem:s17], [sflag:$0x1] =	stream.indirect.gather [hbm4b:s3+s12], $0x40, s22, s12, $0xb8;
	[tilespmem:$0xFA00] =	vst v63  }
0x67: {  	s24 =	simm.s32 $0x788  }
0x68: {  	[tilespmem:s19], [sflag:$0x1] =	stream.indirect.gather [hbm4b:s3+s14], $0x40, s24, s14, $0xb8;
	[tilespmem:$0xFA00] =	vst v63  }
0x69: {  	_ =	swait.ge [sflag:s18], $0x2000  }
0x6a: {  	[sflag:s18] =	ssyncset.done $0x0  }
0x6b: {  	[sflag:s18] =	ssyncadd.s32 $0xFFFFE000  }
0x6c: {  	_ =	swait.ge [sflag:s18], $0x1200  }
0x6d: {  	[sflag:s18] =	ssyncset.done $0x0  }
0x6e: {  	[sflag:s18] =	ssyncadd.s32 $0xFFFFEE00  }
0x6f: {  	_ =	swait.ge [sflag:s18], $0x2000  }
0x70: {  	[sflag:s18] =	ssyncset.done $0x0  }
0x71: {  	[sflag:s18] =	ssyncadd.s32 $0xFFFFE000  }
0x72: {  	_ =	swait.ge [sflag:s18], $0x1200  }
0x73: {  	s0 =	simm.s32 $0xC80;
	[sflag:s18] =	ssyncset.done $0x0  }
0x74: {  	s16 =	sadd.s32 $0x1900, s10;
	s22 =	sadd.s32 $0xC80, s10;
	[sflag:s18] =	ssyncadd.s32 $0xFFFFEE00  }
.LBB2_2:
0x75: {  	[hbm4b:s22+s2] =	stream.linear.scatter [tilespmem:s21], [sflag:$0x4], $0x6400, $0x38;
	[tilespmem:$0xFA00] =	vst v63  }
0x76: {  	s22 =	smov.u32 s0  }
0x77: {  	p0 =	sne.s32 s0, $0xA280;
	s0 =	sadd.s32 $0xC80, s0;
	_ =	swait.ge [sflag:s20], $0x6400  }
0x78: {  	s22 =	sshra.s32 s22, $0x2;
	[sflag:s20] =	ssyncset.done $0x0  }
0x79: {  	s24 =	sadd.s32 $0x4B0, s22;
	[sflag:s20] =	ssyncadd.s32 $0xFFFF9C00  }
0x7a: {  	[tilespmem:s21], [sflag:$0x2] =	stream.indirect.gather [hbm4b:s3+s12], $0x40, s24, s12, $0xb8;
	[tilespmem:$0xFA00] =	vst v63  }
0x7b: {  	s24 =	sadd.s32 $0x530, s22  }
0x7c: {  	[tilespmem:s23], [sflag:$0x2] =	stream.indirect.gather [hbm4b:s3+s14], $0x40, s24, s14, $0xb8;
	[tilespmem:$0xFA00] =	vst v63  }
0x7d: {  	s24 =	sadd.s32 $0x578, s22  }
0x7e: {  	[tilespmem:s25], [sflag:$0x2] =	stream.indirect.gather [hbm4b:s3+s12], $0x40, s24, s12, $0xb8;
	[tilespmem:$0xFA00] =	vst v63  }
0x7f: {  	s24 =	sadd.s32 $0x5F8, s22  }
0x80: {  	[tilespmem:s28], [sflag:$0x2] =	stream.indirect.gather [hbm4b:s3+s14], $0x40, s24, s14, $0xb8;
	[tilespmem:$0xFA00] =	vst v63  }
0x81: {  	_ =	swait.ge [sflag:s29], $0x2000  }
0x82: {  	[sflag:s29] =	ssyncset.done $0x0  }
0x83: {  	[sflag:s29] =	ssyncadd.s32 $0xFFFFE000  }
0x84: {  	_ =	swait.ge [sflag:s29], $0x1200  }
0x85: {  	[sflag:s29] =	ssyncset.done $0x0  }
0x86: {  	[sflag:s29] =	ssyncadd.s32 $0xFFFFEE00  }
0x87: {  	_ =	swait.ge [sflag:s29], $0x2000  }
0x88: {  	[sflag:s29] =	ssyncset.done $0x0  }
0x89: {  	[sflag:s29] =	ssyncadd.s32 $0xFFFFE000  }
0x8a: {  	_ =	swait.ge [sflag:s29], $0x1200  }
0x8b: {  	[sflag:s29] =	ssyncset.done $0x0  }
0x8c: {  	[sflag:s29] =	ssyncadd.s32 $0xFFFFEE00  }
0x8d: {  	[hbm4b:s16+s2] =	stream.linear.scatter [tilespmem:s13], [sflag:$0x3], $0x6400, $0x38;
	[tilespmem:$0xFA00] =	vst v63  }
0x8e: {  	_ =	swait.ge [sflag:s30], $0x6400  }
0x8f: {  	[sflag:s30] =	ssyncset.done $0x0  }
0x90: {  	s24 =	sadd.s32 $0x640, s22;
	[sflag:s30] =	ssyncadd.s32 $0xFFFF9C00  }
0x91: {  	[tilespmem:s13], [sflag:$0x1] =	stream.indirect.gather [hbm4b:s3+s12], $0x40, s24, s12, $0xb8;
	[tilespmem:$0xFA00] =	vst v63  }
0x92: {  	s24 =	sadd.s32 $0x6C0, s22  }
0x93: {  	[tilespmem:s15], [sflag:$0x1] =	stream.indirect.gather [hbm4b:s3+s14], $0x40, s24, s14, $0xb8;
	[tilespmem:$0xFA00] =	vst v63  }
0x94: {  	s24 =	sadd.s32 $0x708, s22  }
0x95: {  	[tilespmem:s17], [sflag:$0x1] =	stream.indirect.gather [hbm4b:s3+s12], $0x40, s24, s12, $0xb8;
	[tilespmem:$0xFA00] =	vst v63  }
0x96: {  	s22 =	sadd.s32 $0x788, s22  }
0x97: {  	[tilespmem:s19], [sflag:$0x1] =	stream.indirect.gather [hbm4b:s3+s14], $0x40, s22, s14, $0xb8;
	[tilespmem:$0xFA00] =	vst v63  }
0x98: {  	_ =	swait.ge [sflag:s18], $0x2000  }
0x99: {  	[sflag:s18] =	ssyncset.done $0x0  }
0x9a: {  	[sflag:s18] =	ssyncadd.s32 $0xFFFFE000  }
0x9b: {  	_ =	swait.ge [sflag:s18], $0x1200  }
0x9c: {  	[sflag:s18] =	ssyncset.done $0x0  }
0x9d: {  	[sflag:s18] =	ssyncadd.s32 $0xFFFFEE00  }
0x9e: {  	_ =	swait.ge [sflag:s18], $0x2000  }
.Ltmp0:
0x9f: {  	[sflag:s18] =	ssyncset.done $0x0;
	(pc) =	sbr.rel @p0 .LBB2_2-.Ltmp0, $4  }
0xa0: {  	[sflag:s18] =	ssyncadd.s32 $0xFFFFE000  }
0xa1: {  	_ =	swait.ge [sflag:s18], $0x1200  }
0xa2: {  	[sflag:s18] =	ssyncset.done $0x0  }
0xa3: {  	s22 =	sadd.s32 $0xC80, s16;
	s16 =	sadd.s32 $0x1900, s16;
	[sflag:s18] =	ssyncadd.s32 $0xFFFFEE00  }
0xa4: {  	[hbm4b:s22+s2] =	stream.linear.scatter [tilespmem:s21], [sflag:$0x4], $0x6400, $0x38;
	[tilespmem:$0xFA00] =	vst v63  }
0xa5: {  	_ =	swait.ge [sflag:s20], $0x6400  }
0xa6: {  	[sflag:s20] =	ssyncset.done $0x0  }
0xa7: {  	s0 =	simm.s32 $0x3070;
	[sflag:s20] =	ssyncadd.s32 $0xFFFF9C00  }
0xa8: {  	[tilespmem:s21], [sflag:$0x2] =	stream.indirect.gather [hbm4b:s3+s12], $0x40, s0, s12, $0xb8;
	[tilespmem:$0xFA00] =	vst v63  }
0xa9: {  	s24 =	simm.s32 $0x30F0  }
0xaa: {  	[tilespmem:s23], [sflag:$0x2] =	stream.indirect.gather [hbm4b:s3+s14], $0x40, s24, s14, $0xb8;
	[tilespmem:$0xFA00] =	vst v63  }
0xab: {  	_ = 	snop  }
0xac: {  	[tilespmem:s25], [sflag:$0x2] =	stream.indirect.gather [hbm4b:s3+s12], $0x40, s26, s12, $0xb8;
	[tilespmem:$0xFA00] =	vst v63  }
0xad: {  	_ = 	snop  }
0xae: {  	[tilespmem:s28], [sflag:$0x2] =	stream.indirect.gather [hbm4b:s3+s14], $0x40, s31, s14, $0xb8;
	[tilespmem:$0xFA00] =	vst v63  }
0xaf: {  	_ =	swait.ge [sflag:s29], $0x2000  }
0xb0: {  	[sflag:s29] =	ssyncset.done $0x0  }
0xb1: {  	[sflag:s29] =	ssyncadd.s32 $0xFFFFE000  }
0xb2: {  	_ =	swait.ge [sflag:s29], $0x1200  }
0xb3: {  	[sflag:s29] =	ssyncset.done $0x0  }
0xb4: {  	[sflag:s29] =	ssyncadd.s32 $0xFFFFEE00  }
0xb5: {  	_ =	swait.ge [sflag:s29], $0x2000  }
0xb6: {  	[sflag:s29] =	ssyncset.done $0x0  }
0xb7: {  	[sflag:s29] =	ssyncadd.s32 $0xFFFFE000  }
0xb8: {  	_ =	swait.ge [sflag:s29], $0x1200  }
0xb9: {  	[sflag:s29] =	ssyncset.done $0x0  }
0xba: {  	[sflag:s29] =	ssyncadd.s32 $0xFFFFEE00  }
0xbb: {  	[hbm4b:s8+s2] =	stream.linear.scatter [tilespmem:s13], [sflag:$0x3], $0x6400, $0x38;
	[tilespmem:$0xFA00] =	vst v63  }
0xbc: {  	_ =	swait.ge [sflag:s18], $0x2000  }
0xbd: {  	[sflag:s18] =	ssyncset.done $0x0  }
0xbe: {  	[sflag:s18] =	ssyncadd.s32 $0xFFFFE000  }
0xbf: {  	_ =	swait.ge [sflag:s18], $0x1200  }
0xc0: {  	[sflag:s18] =	ssyncset.done $0x0  }
0xc1: {  	[sflag:s18] =	ssyncadd.s32 $0xFFFFEE00  }
0xc2: {  	_ =	swait.ge [sflag:s18], $0x2000  }
0xc3: {  	[sflag:s18] =	ssyncset.done $0x0  }
0xc4: {  	[sflag:s18] =	ssyncadd.s32 $0xFFFFE000  }
0xc5: {  	_ =	swait.ge [sflag:s18], $0x1200  }
0xc6: {  	[sflag:s18] =	ssyncset.done $0x0  }
0xc7: {  	s1 =	sadd.s32 $0x1, s1;
	[sflag:s18] =	ssyncadd.s32 $0xFFFFEE00  }
0xc8: {  	[hbm4b:s9+s2] =	stream.linear.scatter [tilespmem:s21], [sflag:$0x4], $0x6400, $0x38;
	[tilespmem:$0xFA00] =	vst v63  }
0xc9: {  	p0 =	sne.s32 s1, s6;
	_ =	swait.ge [sflag:s30], $0x6400  }
.Ltmp1:
0xca: {  	[sflag:s30] =	ssyncset.done $0x0;
	(pc) =	sbr.rel @p0 .LBB2_1-.Ltmp1, $4  }
0xcb: {  	[sflag:s30] =	ssyncadd.s32 $0xFFFF9C00  }
0xcc: {  	_ =	swait.ge [sflag:s20], $0x6400  }
0xcd: {  	[sflag:s20] =	ssyncset.done $0x0  }
0xce: {  	[sflag:s20] =	ssyncadd.s32 $0xFFFF9C00  }
0xcf: {  	_ =	sfence.sel $0x180000  }
0xd0: {  	[bflag:$0x0] =	sbarrier.arrive $0xFFFF  }
0xd1: {  	_ =	strace $0x90000047  }
0xd2: {  	s0 =	stileid.u32;
	[bflag:$0x2] =	sbarrier.arrive $0xFFFF  }
0xd3: {  	p0 =	sne.s32 s0, $0x0;
	s0 =	rddreg [dreg:$0x1]  }
0xd4: {  	s0 =	sadd.s32 @!p0 $0x100000, s0  }
0xd5: {  	[sflag:s0] =	ssyncadd.tile.s32 @!p0 $0x1;
	_ =	shalt  }
.Lfunc_end2:
_tile_overlayer_lowered:
.L_overlay_start_2:
0xd6: {  	(tag) =	ssettag $0x2  }
0xd7: {  	s0 =	rddreg [dreg:$0x0];
	s2 =	stileid.u32  }
0xd8: {  	s1 =	rddreg [dreg:$0x1];
	p0 =	sne.s32 s2, $0x0  }
0xd9: {  	s3 =	rddreg [dreg:$0x2];
	[bflag:$0x3] =	sbarrier.arrive $0xFFFF;
	s2 =	simm.s32 @!p0 $0x1C05  }
0xda: {  	[timem:s3], [sflag:s2] =	dma.local @!p0 [hbm:s0], s1  }
0xdb: {  	s0 =	simm.s32 @!p0 $0x5  }
0xdc: {  	_ =	swait.ge @!p0 [sflag:s0], s1  }
0xdd: {  	s1 =	ssub.s32 @!p0 $0x0, s1;
	[sflag:s0] =	ssyncset.done @!p0 $0x0  }
0xde: {  	[sflag:s0] =	ssyncadd.s32 @!p0 s1  }
0xdf: {  	[bflag:$0x3] =	sbarrier.arrive $0xFFFF  }
0xe0: {  	_ =	shalt  }

// kernel: sparse-core-data-format-call.cloned.1.call-start
scs
called_computation_lowered:
.L_overlay_start_0:
0x0: {  	s2 =	sld [smem:$0x3FD9]  }
0x1: {  	s3 =	sld [smem:$0x3FFE];
	_ =	sdelay $0x1  }
0x2: {  	s1 =	srdreg.scid  }
0x3: {  	s0 =	sand.u32 $0x1, s1  }
0x4: {  	s18 =	sshll.u32 s0, $0xA;
	s2 =	sadd.s32 s3, s2  }
0x5: {  	s2 =	sadd.s32 s2, s18  }
0x6: {  	[smem:$0x3FC6] =	sst s2  }
0x7: {  	_ = 	snop  }
0x8: {  	s2 =	sld [smem:$0x3FD0];
	(tm) =	ssettm $0x1  }
0x9: {  	s19 =	sld [smem:$0x3FFB];
	_ =	sdelay $0x3  }
0xa: {  	_ =	strace s19  }
0xb: {  	s3 =	sld [smem:$0x3FFC];
	_ =	sdelay $0x3  }
0xc: {  	_ =	strace s3  }
0xd: {  	s3 =	sld [smem:$0x3FFD];
	_ =	sdelay $0x3  }
0xe: {  	_ =	strace s3  }
0xf: {  	_ =	strace $0x8FFFFFFF  }
0x10: {  	s20 =	sld [smem:$0x3FDB];
	_ =	sdelay $0x1  }
0x11: {  	s4 =	simm.s32 $_scs_section_size  }
0x12: {  	s5 =	simm.s32 $_size__tile_overlayer_lowered;
	s6 =	simm.s32 $_tile_overlayer_lowered  }
0x13: {  	s23 =	simm.s32 $0x1BFF;
	s22 =	sshll.u32 s6, $0x1;
	s3 =	sadd.s32 s4, s20  }
0x14: {  	s7 =	simm.s32 $0x0;
	s21 =	sshll.u32 s5, $0x1;
	s5 =	sadd.s32 s22, s3  }
0x15: {  	[timem:s7], [sflag:s23] =	dma.local [hbm:s5], s21  }
0x16: {  	_ =	swait.ge [sflag:s23], s21  }
0x17: {  	s4 =	ssub.s32 $0x0, s21;
	[sflag:s23] =	ssyncset.done $0x0  }
0x18: {  	[sflag:s23] =	ssyncadd.s32 s4;
	_ =	sdelay $0x1  }
0x19: {  	s24 =	simm.s32 $0x1B8B  }
0x1a: {  	_ =	swait.ge [sflag:s24], $0x1  }
0x1b: {  	[sflag:s24] =	ssyncset.done $0x0  }
0x1c: {  	s26 =	simm.s32 $0x1B8E;
	s25 =	sld [smem:$0x3FFE];
	[sflag:s24] =	ssyncadd.s32 $0xFFFFFFFF  }
0x1d: {  	s27 =	simm.s32 $execute0_lowered;
	[smem:$0x3FD2] =	sst s26  }
0x1e: {  	s5 =	sshll.u32 s27, $0x1;
	_ =	strace $0x8000004C;
	[dreg:$0x1] =	wrdreg $0xFFFFFFFF  }
0x1f: {  	s28 =	simm.s32 $_size_execute0_lowered;
	s3 =	sadd.s32 s3, s5;
	[dreg:$0x0] =	wrdreg $0x0  }
0x20: {  	s5 =	sshll.u32 s28, $0x1;
	[dreg:$0x2] =	wrdreg s3  }
0x21: {  	[dreg:$0x3] =	wrdreg s5  }
0x22: {  	[dreg:$0x4] =	wrdreg $0xC0  }
0x23: {  	_ =	task [dreg:s7], $0x5FFFF  }
0x24: {  	[dreg:$0x1] =	wrdreg $0xFFFFFFFF  }
0x25: {  	[dreg:$0x0] =	wrdreg $0x60  }
0x26: {  	[dreg:$0x2] =	wrdreg s25  }
0x27: {  	[dreg:$0x3] =	wrdreg s2  }
0x28: {  	[dreg:$0x4] =	wrdreg $0x9  }
0x29: {  	_ =	task.clear_ibuf [dreg:s7], $0x5FFFF;
	_ =	strace $0x9000004C  }
0x2a: {  	s29 =	simm.s32 $0x9;
	_ =	strace $0x8000004E  }
0x2b: {  	_ =	swait.ge [sflag:s29], $0x1  }
0x2c: {  	[sflag:s29] =	ssyncadd.s32 $0xFFFFFFFF  }
0x2d: {  	_ =	strace $0x9000004E  }
0x2e: {  	_ =	sfence  }
0x2f: {  	s30 =	sld [smem:$0x0];
	_ =	sdelay $0x2  }
0x30: {  	s31 =	sshll.u32 s1, $0xD;
	s1 =	sshrl.u32 s1, $0x2  }
0x31: {  	s3 =	sand.u32 $0x4000, s31;
	s1 =	sadd.s32 s1, s30  }
0x32: {  	s0 =	sor.u32 s3, s0;
	s1 =	sshll.u32 s1, $0x11  }
0x33: {  	s0 =	sor.u32 s1, s0  }
0x34: {  	s0 =	sadd.s32 $0x8F2B, s0  }
0x35: {  	[sflag:s0] =	ssyncadd.remote.s32 $0x1  }
0x36: {  	_ =	sfence.sel $0xFFFF  }
0x37: {  	[dreg:$0x0] =	wrdreg $0xFFFFFFFF;
	(pc) =	sbr.abs _section_cstart, $3  }
0x38: {  	[dreg:$0x1] =	wrdreg $0xFFFFFFFF  }
0x39: {  	_ =	task.clear_ibuf [dreg:s7], $0x2FFFF;
	_ =	strace $0x9FFFFFFF  }
0x3a: {  	(tm) =	ssettm $0x7FFFFFFF  }
0x3b: {  	_ =	shalt  }
tec
execute0_lowered:
.L_overlay_start_1:
0x0: {  	(tag) =	ssettag $0x1  }
0x1: {  	s0 =	srdreg.scid  }
0x2: {  	s1 =	sshll.u32 s0, $0x4  }
0x3: {  	s0 =	stileid.u32;
	s1 =	sand.u32 $0x10, s1  }
0x4: {  	s1 =	sor.u32 s0, s1  }
0x5: {  	s6 =	rddreg [dreg:$0x0];
	s4 =	simm.s32 $0x1;
	s2 =	sshll.u32 s1, $0x7  }
0x6: {  	s7 =	simm.s32 $0x2;
	s12 =	simm.s32 $0x0;
	s1 =	ssub.s32 $0x1000, s2  }
0x7: {  	s8 =	simm.s32 $0x8000;
	s13 =	simm.s32 $0x0;
	s3 =	sand.u32 $0xF80, s1  }
0x8: {  	s9 =	simm.s32 $0x0;
	s5 =	sshrl.u32 s1, $0xC;
	p0 =	sne.s32 s3, $0x0  }
.Ltmp0:
0x9: {  	s1 =	rddreg [dreg:$0x2];
	s4 =	simm.s32 @!p0 $0x0;
	(pc) =	sbr.rel .LBB1_1-.Ltmp0, $4  }
0xa: {  	s11 =	simm.s32 $0x0;
	s3 =	rddreg [dreg:$0x1];
	s5 =	sadd.s32 s4, s5  }
0xb: {  	_ =	strace $0x8000004D;
	s4 =	simm.s32 $0x1;
	s5 =	smul.u32 $0xC8, s5  }
0xc: {  	s6 =	sadd.s32 $0xC9A000, s6;
	s10 =	smov.u32 s2;
	[sflag:s4] =	ssyncpa.u1 $0x0  }
0xd: {  	p0 =	por $0x0, $0x0;
	[sflag:s7] =	ssyncpa.u1 $0x0;
	s7 =	sor.u32 $0x1, s5  }
.LBB1_4:
0xe: {  	s16 =	sshll.u32 s13, $0x3;
	s17 =	sand.u32 $0x78, s13  }
0xf: {  	s30 =	sand.u32 $0x7E00, s13;
	s12 =	sshll.u32 s12, $0xF;
	s16 =	sand.u32 $0xC00, s16  }
0x10: {  	[tilespmem:s15+$0x810 ss:$0x81] =	vst.msk $0xffff, v2;
	s31 =	sand.u32 $0x7, s13;
	s16 =	sor.u32 s17, s16;
	s17 =	sadd.s32 s3, s30  }
0x11: {  	[tilespmem:s15+$0x1020 ss:$0x81] =	vst.msk $0xffff, v0;
	s13 =	sshll.u32 s31, $0x12;
	s12 =	sadd.s32 s12, s17;
	s16 =	sshrl.u32 s16, $0x3  }
0x12: {  	[tilespmem:s15+$0x0 ss:$0x81] =	vst.msk $0xffff, v1;
	s13 =	sor.u32 $0x400, s13;
	s12 =	sadd.s32 s16, s12  }
0x13: {  	[hbm4b:s12+s13] =	stream.strided.scatter [tilespmem:s14], [sflag:$0x2], $0x2000, s8, s13, $0x20;
	[tilespmem:$0x8080] =	vst v63  }
.LBB1_5:
0x14: {  	s14 =	sadd.s32 $0x1, s9  }
0x15: {  	s12 =	sadd.s32 $0x1000, s10;
	s16 =	smov.u32 s10;
	p2 =	sgt.s32 s14, $0xC7  }
0x16: {  	s16 =	smov.u32 @p2 s12  }
0x17: {  	s14 =	simm.s32 @p2 $0x0;
	p2 =	sgt.s32 s16, $0xFFF  }
0x18: {  	s16 =	smov.u32 @p2 s2;
	p2 =	sne.s32 s11, s7  }
.Ltmp1:
0x19: {  	p1 =	slt.u32 s11, $0x2;
	(pc) =	sbr.rel @!p2 .LBB1_6-.Ltmp1, $4  }
0x1a: {  	s15 =	simm.s32 @!p1 $0x2  }
0x1b: {  	s13 =	smov.u32 s10;
	p0 =	por !p0, !p0;
	_ =	swait.ge @!p1 [sflag:s15], $0x2000  }
0x1c: {  	s12 =	smov.u32 s9;
	[sflag:s15] =	ssyncset.done @!p1 $0x0;
	s9 =	smov.u32 s14  }
0x1d: {  	s11 =	sadd.s32 $0x1, s11;
	[sflag:s15] =	ssyncadd.s32 @!p1 $0xFFFFE000;
	s10 =	smov.u32 s16  }
.LBB1_1:
0x1e: {  	p1 =	sge.u32 s11, s5  }
0x1f: {  	s14 =	sand.u32 @!p1 $0x1FFFFFF, s9  }
0x20: {  	s15 =	smulhi.u32 @!p1 $0x147AE15, s14;
	_ =	sdelay $0x1  }
0x21: {  	s15 =	smul.u32 @!p1 $0xC8, s15  }
0x22: {  	s16 =	sxor.u32 @!p1 $0xFFFFFFFF, s11;
	s17 =	smul.u32 @!p1 $0xC80, s10  }
0x23: {  	s31 =	sadd.s32 $0xFFFFFFFF, s11;
	s16 =	sshll.u32 @!p1 s16, $0xD;
	s14 =	ssub.s32 @!p1 s14, s15  }
0x24: {  	s15 =	sand.u32 @!p1 $0x2000, s16;
	s16 =	sadd.s32 @!p1 s6, s17;
	s14 =	sshll.u32 @!p1 s14, $0x4  }
0x25: {  	s17 =	simm.s32 @!p1 $0x6400;
	s14 =	sadd.s32 @!p1 s14, s16;
	s16 =	simm.s32 @!p1 $0x40  }
0x26: {  	[tilespmem:s15], [sflag:$0x1] =	stream.strided.gather @!p1 [hbm4b:s14+s16], $0x2000, s17, s16, $0x38;
	[tilespmem:$0x8080] =	vst v63  }
0x27: {  	p1 =	sge.u32 s31, s5  }
.Ltmp2:
0x28: {  	_ = 	snop;
	(pc) =	sbr.rel @p1 .LBB1_5-.Ltmp2, $1  }
0x29: {  	_ =	sdelay $0x3  }
0x2a: {  	s14 =	simm.s32 $0x1  }
0x2b: {  	_ =	swait.ge [sflag:s4], $0x2000;
	s14 =	simm.s32 @!p0 $0x0  }
0x2c: {  	[sflag:s4] =	ssyncset.done $0x0;
	s15 =	sshll.u32 s14, $0xD  }
0x2d: {  	[sflag:s4] =	ssyncadd.s32 $0xFFFFE000;
	s18 =	sor.u32 $0x20, s15  }
0x2e: {  	s14 =	smul.u32 $0x8100, s14;
	v3 =	vld [tilespmem:s18+$0x10]  }
0x2f: {  	s30 =	sand.u32 $0x1, s11;
	v2 =	vld [tilespmem:s18+$0xFFFFFFF0]  }
0x30: {  	s15 =	smul.u32 $0x8100, s30;
	s14 =	sshrl.u32 s14, $0x2;
	v0 =	vld [tilespmem:s18+$0x0]  }
0x31: {  	v1 =	vld [tilespmem:s18+$0xFFFFFFE0];
	s16 =	sor.u32 $0x4000, s14  }
0x32: {  	s31 =	sshrl.u32 s15, $0x2;
	s15 =	sadd.s32 $0x0, s16  }
0x33: {  	s17 =	simm.s32 $0x4;
	s18 =	sadd.s32 $0x40, s18;
	s14 =	sor.u32 $0x4000, s31;
	[tilespmem:s15+$0x1830 ss:$0x81] =	vst.msk $0xffff, v3  }
.LBB1_3:
0x34: {  	v3 =	vld [tilespmem:s18+$0x10];
	p1 =	sne.s32 s17, $0x1FC;
	[tilespmem:s15+$0x810 ss:$0x81] =	vst.msk $0xffff, v2;
	s19 =	smov.u32 s17;
	s17 =	sadd.s32 $0x4, s17  }
.Ltmp3:
0x35: {  	v2 =	vld [tilespmem:s18+$0xFFFFFFF0];
	[tilespmem:s15+$0x1020 ss:$0x81] =	vst.msk $0xffff, v0;
	(pc) =	sbr.rel @p1 .LBB1_3-.Ltmp3, $4  }
0x36: {  	v0 =	vld [tilespmem:s18+$0x0];
	[tilespmem:s15+$0x0 ss:$0x81] =	vst.msk $0xffff, v1  }
0x37: {  	s15 =	sshra.s32 s19, $0x2;
	v1 =	vld [tilespmem:s18+$0xFFFFFFE0]  }
0x38: {  	s15 =	sadd.s32 s15, s16  }
0x39: {  	s18 =	sadd.s32 $0x40, s18;
	[tilespmem:s15+$0x1830 ss:$0x81] =	vst.msk $0xffff, v3  }
.Ltmp4:
0x3a: {  	_ = 	snop;
	(pc) =	sbr.rel .LBB1_4-.Ltmp4, $1  }
0x3b: {  	_ =	sdelay $0x3  }
.LBB1_6:
0x3c: {  	_ =	sfence.sel $0x180000  }
0x3d: {  	s2 =	simm.s32 $0x1;
	[bflag:$0x0] =	sbarrier.arrive $0xFFFF  }
0x3e: {  	s31 =	simm.s32 $0x2;
	[sflag:s2] =	ssyncpa.u1 $0x1  }
0x3f: {  	[sflag:s31] =	ssyncpa.u1 $0x1  }
0x40: {  	p0 =	sne.s32 s0, $0x0;
	_ =	strace $0x9000004D  }
0x41: {  	s0 =	sadd.s32 @!p0 $0x100000, s1;
	[bflag:$0x2] =	sbarrier.arrive $0xFFFF  }
0x42: {  	[sflag:s0] =	ssyncadd.tile.s32 @!p0 $0x1;
	_ =	shalt  }
.Lfunc_end1:
_tile_overlayer_lowered:
.L_overlay_start_2:
0x43: {  	(tag) =	ssettag $0x2  }
0x44: {  	s0 =	rddreg [dreg:$0x0];
	s2 =	stileid.u32  }
0x45: {  	s1 =	rddreg [dreg:$0x1];
	p0 =	sne.s32 s2, $0x0  }
0x46: {  	s3 =	rddreg [dreg:$0x2];
	[bflag:$0x3] =	sbarrier.arrive $0xFFFF;
	s2 =	simm.s32 @!p0 $0x1C01  }
0x47: {  	[timem:s3], [sflag:s2] =	dma.local @!p0 [hbm:s0], s1  }
0x48: {  	s0 =	simm.s32 @!p0 $0x1  }
0x49: {  	_ =	swait.ge @!p0 [sflag:s0], s1  }
0x4a: {  	s1 =	ssub.s32 @!p0 $0x0, s1;
	[sflag:s0] =	ssyncset.done @!p0 $0x0  }
0x4b: {  	[sflag:s0] =	ssyncadd.s32 @!p0 s1  }
0x4c: {  	[bflag:$0x3] =	sbarrier.arrive $0xFFFF  }
0x4d: {  	_ =	shalt  }

</sc_bundles>
